<compile_context>
chip_gen: v7x
topology: tpu7x:2x2x1
jax: 0.10.2.dev20260603
libtpu: 0.0.44.dev20260713+nightly
codegen_flags: <defaults>
</compile_context>

<pallas_src>
import jax
import jax.numpy as jnp
from jax.experimental import pallas as pl
from jax.experimental.pallas import tpu as pltpu

_NN = 128
_QB = 128
_TB = 512
_GPB = 8


def _dist_kernel(xs_ref, ts_ref, xn_ref, tn_ref, out_ref):
    mm = jax.lax.dot_general(
        xs_ref[...], ts_ref[...], (((1,), (1,)), ((), ())),
        preferred_element_type=jnp.float32)
    d2 = (xn_ref[...] + tn_ref[...]) - 2.0 * mm
    out_ref[...] = jnp.sqrt(jnp.maximum(d2, 1e-12))


def _gp_kernel(xq_ref, nx_ref, nyc_ref, ae_ref, out_ref):
    b_n = xq_ref.shape[0]
    nx = nx_ref[...]
    xq = xq_ref[...]
    nyc = nyc_ref[...]
    aev = ae_ref[...]

    grams = []
    for b in range(b_n):
        nxb = nx[b]
        grams.append(jax.lax.dot_general(
            nxb, nxb, (((1,), (1,)), ((), ())),
            preferred_element_type=jnp.float32))
    gram = jnp.stack(grams)
    nx16 = nx.astype(jnp.bfloat16).astype(jnp.float32)
    xq16 = xq.astype(jnp.bfloat16).astype(jnp.float32)
    nxq = jnp.sum(nx16 * xq16[:, None, :], axis=2)

    rn = jnp.sum(nx * nx, axis=2)
    qn = jnp.sum(xq * xq, axis=1)
    d2 = rn[:, :, None] + rn[:, None, :] - 2.0 * gram
    eg = jnp.exp(-jnp.sqrt(jnp.maximum(d2, 1e-12)) * 0.125)
    qd2 = rn + qn[:, None] - 2.0 * nxq
    e = aev * jnp.exp(-jnp.sqrt(jnp.maximum(qd2, 1e-12)) * 0.125)

    rows = jax.lax.broadcasted_iota(jnp.int32, (1, _NN, 1), 1)
    lanes = jax.lax.broadcasted_iota(jnp.int32, (1, 1, _NN), 2)

    def gj_body(k, m):
        rmask = rows == k
        lmask = lanes == k
        prow = jnp.sum(jnp.where(rmask, m, 0.0), axis=1, keepdims=True)
        piv = jnp.sum(jnp.where(lmask, prow, 0.0), axis=2, keepdims=True)
        col = jnp.sum(jnp.where(lmask, m, 0.0), axis=2, keepdims=True)
        rp = 1.0 / piv
        prow2 = jnp.where(lmask, rp, prow * rp)
        f = jnp.where(rmask, 0.0, col)
        upd = m - f * (prow2 + jnp.where(lmask, 1.0, 0.0))
        return jnp.where(rmask, prow2, upd)

    inv_raw = jax.lax.fori_loop(0, _NN, gj_body, eg)

    def dot_h(u, v):
        return jax.lax.dot_general(
            u, v, (((1,), (0,)), ((), ())),
            precision=jax.lax.Precision.HIGHEST,
            preferred_element_type=jnp.float32)

    refined = []
    for b in range(b_n):
        xb = inv_raw[b]
        t = dot_h(eg[b], xb)
        refined.append(2.0 * xb - dot_h(xb, t))
    inv = jnp.stack(refined) / aev[:, :, None]

    ys = []
    ts = []
    e16 = e.astype(jnp.bfloat16)
    inv16 = inv.astype(jnp.bfloat16)
    for b in range(b_n):
        kw = jax.lax.dot_general(
            e16[b:b + 1], inv16[b], (((1,), (0,)), ((), ())),
            preferred_element_type=jnp.float32)
        yb = jnp.sum(kw * nyc[b:b + 1], axis=1, keepdims=True)
        tb = jnp.sum(kw * e[b:b + 1], axis=1, keepdims=True)
        ys.append(yb)
        ts.append(tb)
    y_raw = jnp.concatenate(ys, axis=0)
    t_raw = jnp.concatenate(ts, axis=0)
    lane = jax.lax.broadcasted_iota(jnp.int32, (b_n, _NN), 1)
    out_ref[...] = jnp.where(lane == 0, y_raw,
                             jnp.where(lane == 1, t_raw, 0.0))


def kernel(x, trainX, trainy, ymean, l, a):
    q, d = x.shape
    n = trainX.shape[0]
    le = jnp.exp(l)
    ae = jnp.exp(a)
    xs = x / le
    ts = trainX / le

    npad = ((n + _TB - 1) // _TB) * _TB
    tpad = jnp.pad(ts, ((0, npad - n), (0, 0)), constant_values=1e6)

    xn = jnp.sum(xs * xs, axis=-1)[:, None]
    tn = jnp.sum(tpad * tpad, axis=-1)[None, :]

    dists = pl.pallas_call(
        _dist_kernel,
        grid=(q // _QB, npad // _TB),
        in_specs=[pl.BlockSpec((_QB, d), lambda i, j: (i, 0)),
                  pl.BlockSpec((_TB, d), lambda i, j: (j, 0)),
                  pl.BlockSpec((_QB, 1), lambda i, j: (i, 0)),
                  pl.BlockSpec((1, _TB), lambda i, j: (0, j))],
        out_specs=pl.BlockSpec((_QB, _TB), lambda i, j: (i, j)),
        out_shape=jax.ShapeDtypeStruct((q, npad), jnp.float32),
    )(xs, tpad, xn, tn)

    _, idx = jax.lax.top_k(-dists, _NN + 1)
    nbr = idx[:, 1:]

    nxg = ts[nbr]
    noise = jax.random.normal(jax.random.key(1), (q, _NN, 1),
                              dtype=jnp.float32)
    nyc = trainy[nbr][:, :, 0] + 0.01 * noise[:, :, 0] - ymean

    aev = jnp.broadcast_to(ae[None, None], (q, 1)).astype(jnp.float32)
    out = pl.pallas_call(
        _gp_kernel,
        grid=(q // _GPB,),
        in_specs=[pl.BlockSpec((_GPB, 64), lambda i: (i, 0)),
                  pl.BlockSpec((_GPB, _NN, 64), lambda i: (i, 0, 0)),
                  pl.BlockSpec((_GPB, _NN), lambda i: (i, 0)),
                  pl.BlockSpec((_GPB, 1), lambda i: (i, 0))],
        out_specs=pl.BlockSpec((_GPB, _NN), lambda i: (i, 0)),
        out_shape=jax.ShapeDtypeStruct((q, _NN), jnp.float32),
    )(xs, nxg, nyc, aev)

    y = out[:, 0:1] + ymean
    yvar = ae - out[:, 1]
    return (y, yvar)

# --- scband reference (transcript-rebuilt; emitter-appended) ---
"""Pipeline reference for scband-muy-gp-824633721002 (READ-ONLY COPY).

The authoritative reference and input builder live on the scoring server;
editing this copy changes nothing except your own understanding.
"""

import jax, jax.numpy as jnp
import numpy as np

NN = 128

def _cdist(A, B):
    d2 = (jnp.sum(A * A, axis=-1)[..., :, None]
          + jnp.sum(B * B, axis=-1)[..., None, :]
          - 2.0 * jnp.matmul(A, jnp.swapaxes(B, -1, -2)))
    return jnp.sqrt(jnp.maximum(d2, 1e-12))

def _kernel(A, B, le, ae):
    A = A / le
    B = B / le
    d = _cdist(A, B) / np.sqrt(A.shape[-1])
    return ae * jnp.exp(-d)

def setup_inputs(seed: int = 0):
    key = jax.random.key(seed)
    k1, k2, k3 = jax.random.split(key, 3)
    x = jax.random.normal(k1, (1024, 64), dtype=jnp.float32)
    trainX = jax.random.normal(k2, (100000, 64), dtype=jnp.float32)
    trainy = jax.random.normal(k3, (100000, 1), dtype=jnp.float32)
    ymean = jnp.mean(trainy)
    l = jnp.array(0.0, dtype=jnp.float32)
    a = jnp.array(0.0, dtype=jnp.float32)
    return {"x": x, "trainX": trainX, "trainy": trainy, "ymean": ymean, "l": l, "a": a}

def reference(x, trainX, trainy, ymean, l, a):
    le = jnp.exp(l)
    ae = jnp.exp(a)
    dists = _cdist(x / le, trainX / le)
    _, idx = jax.lax.top_k(-dists, NN + 1)  # torch.topk(largest=False)
    neighbors = idx[:, 1:]                  # training branch: drop nearest (self)
    nX = trainX[neighbors]                  # [Q, NN, d]
    ny = trainy[neighbors]                  # [Q, NN, o]
    noise = jax.random.normal(jax.random.key(1), ny.shape, dtype=ny.dtype)
    ny = ny + 0.01 * noise - ymean
    auto = _kernel(nX, nX, le, ae)          # [Q, NN, NN]
    autoCov = jnp.linalg.inv(auto)
    crossCov = _kernel(x[:, None, :], nX, le, ae)  # [Q, 1, NN]
    kWeights = jnp.matmul(crossCov, autoCov)       # [Q, 1, NN]
    y = jnp.matmul(kWeights, ny)                   # [Q, 1, o]
    yVar = ae * jnp.ones((x.shape[0],), dtype=x.dtype) - jnp.squeeze(jnp.matmul(kWeights, jnp.swapaxes(crossCov, 1, 2)))
    return (jnp.squeeze(y + ymean, axis=1), yVar)

if __name__ == "__main__":
    import jax
    _d = setup_inputs()
    print(jax.jit(kernel)(*tuple(_d.values())))

</pallas_src>

<mosaic_0001>
module attributes {stable_mosaic.version = 14 : i64} {
  func.func @_dist_kernel(%arg0: i32, %arg1: i32, %arg2: memref<128x64xf32, #tpu.memory_space<vmem>>, %arg3: memref<512x64xf32, #tpu.memory_space<vmem>>, %arg4: memref<128x1xf32, #tpu.memory_space<vmem>>, %arg5: memref<1x512xf32, #tpu.memory_space<vmem>>, %arg6: memref<128x512xf32, #tpu.memory_space<vmem>>) attributes {dimension_semantics = [#tpu.dimension_semantics<arbitrary>, #tpu.dimension_semantics<arbitrary>], iteration_bounds = array<i64: 8, 196>, scalar_prefetch = 0 : i64, scratch_operands = 0 : i64, tpu.core_type = #tpu.core_type<tc>, window_params = [{transform_indices = @transform_0, window_bounds = array<i64: 128, 64>}, {transform_indices = @transform_1, window_bounds = array<i64: 512, 64>}, {transform_indices = @transform_2, window_bounds = array<i64: 128, 1>}, {transform_indices = @transform_3, window_bounds = array<i64: 1, 512>}, {transform_indices = @transform_4, window_bounds = array<i64: 128, 512>}]} {
    %get3A = arith.constant 0 : index
    %get3A_0 = arith.constant 0 : index
    %get3A_1 = vector.load %arg2[%get3A, %get3A_0] : memref<128x64xf32, #tpu.memory_space<vmem>>, vector<128x64xf32>
    %get3A_2 = arith.constant 0 : index
    %get3A_3 = arith.constant 0 : index
    %get3A_4 = vector.load %arg3[%get3A_2, %get3A_3] : memref<512x64xf32, #tpu.memory_space<vmem>>, vector<512x64xf32>
    %dot_general3A = arith.constant dense<0.000000e+00> : vector<128x512xf32>
    %dot_general3A_5 = tpu.matmul %get3A_1, %get3A_4, %dot_general3A {dimension_numbers = #tpu.dot_dimension_numbers<[1], [1], [0], [0], [0, 0, 1, 0], [], []>, transpose_lhs_hint = false} : vector<128x64xf32>, vector<512x64xf32>, vector<128x512xf32> -> vector<128x512xf32>
    %get3A_6 = arith.constant 0 : index
    %get3A_7 = arith.constant 0 : index
    %get3A_8 = vector.load %arg4[%get3A_6, %get3A_7] : memref<128x1xf32, #tpu.memory_space<vmem>>, vector<128x1xf32>
    %get3A_9 = arith.constant 0 : index
    %get3A_10 = arith.constant 0 : index
    %get3A_11 = vector.load %arg5[%get3A_9, %get3A_10] : memref<1x512xf32, #tpu.memory_space<vmem>>, vector<1x512xf32>
    %add3A = vector.broadcast %get3A_8 : vector<128x1xf32> to vector<128x512xf32>
    %add3A_12 = vector.broadcast %get3A_11 : vector<1x512xf32> to vector<128x512xf32>
    %add3A_13 = arith.addf %add3A, %add3A_12 : vector<128x512xf32>
    %mul3A = arith.constant 2.000000e+00 : f32
    %mul3A_14 = vector.broadcast %mul3A : f32 to vector<128x512xf32>
    %mul3A_15 = arith.mulf %mul3A_14, %dot_general3A_5 : vector<128x512xf32>
    %sub3A = arith.subf %add3A_13, %mul3A_15 : vector<128x512xf32>
    %max3A = arith.constant 9.99999996E-13 : f32
    %max3A_16 = vector.broadcast %max3A : f32 to vector<128x512xf32>
    %max3A_17 = arith.maximumf %sub3A, %max3A_16 : vector<128x512xf32>
    %sqrt3A = math.sqrt %max3A_17 : vector<128x512xf32>
    %swap3A = arith.constant 0 : index
    %swap3A_18 = arith.constant 0 : index
    %swap3A_19 = vector.load %arg6[%swap3A, %swap3A_18] : memref<128x512xf32, #tpu.memory_space<vmem>>, vector<128x512xf32>
    tpu.vector_store %arg6[%swap3A, %swap3A_18], %sqrt3A {strides = array<i32>} : memref<128x512xf32, #tpu.memory_space<vmem>>, vector<128x512xf32>,
    return
  }
  func.func @transform_0(%arg0: i32, %arg1: i32) -> (i32, i32) {
    %c0_i32 = arith.constant 0 : i32
    %c0_i32_0 = arith.constant 0 : i32
    return %arg0, %c0_i32 : i32, i32
  }
  func.func @transform_1(%arg0: i32, %arg1: i32) -> (i32, i32) {
    %c0_i32 = arith.constant 0 : i32
    %c0_i32_0 = arith.constant 0 : i32
    return %arg1, %c0_i32 : i32, i32
  }
  func.func @transform_2(%arg0: i32, %arg1: i32) -> (i32, i32) {
    %c0_i32 = arith.constant 0 : i32
    %c0_i32_0 = arith.constant 0 : i32
    return %arg0, %c0_i32 : i32, i32
  }
  func.func @transform_3(%arg0: i32, %arg1: i32) -> (i32, i32) {
    %c0_i32 = arith.constant 0 : i32
    %c0_i32_0 = arith.constant 0 : i32
    return %c0_i32, %arg1 : i32, i32
  }
  func.func @transform_4(%arg0: i32, %arg1: i32) -> (i32, i32) {
    %c0_i32 = arith.constant 0 : i32
    return %arg0, %arg1 : i32, i32
  }
}

module attributes {stable_mosaic.version = 14 : i64} {
  func.func @_gp_kernel(%arg0: i32, %arg1: memref<8x64xf32, #tpu.memory_space<vmem>>, %arg2: memref<8x128x64xf32, #tpu.memory_space<vmem>>, %arg3: memref<8x128xf32, #tpu.memory_space<vmem>>, %arg4: memref<8x1xf32, #tpu.memory_space<vmem>>, %arg5: memref<8x128xf32, #tpu.memory_space<vmem>>) attributes {dimension_semantics = [#tpu.dimension_semantics<arbitrary>], iteration_bounds = array<i64: 128>, scalar_prefetch = 0 : i64, scratch_operands = 0 : i64, tpu.core_type = #tpu.core_type<tc>, window_params = [{transform_indices = @transform_0, window_bounds = array<i64: 8, 64>}, {transform_indices = @transform_1, window_bounds = array<i64: 8, 128, 64>}, {transform_indices = @transform_2, window_bounds = array<i64: 8, 128>}, {transform_indices = @transform_3, window_bounds = array<i64: 8, 1>}, {transform_indices = @transform_4, window_bounds = array<i64: 8, 128>}]} {
    %get3A = arith.constant 0 : index
    %get3A_0 = arith.constant 0 : index
    %get3A_1 = arith.constant 0 : index
    %get3A_2 = vector.load %arg2[%get3A, %get3A_0, %get3A_1] : memref<8x128x64xf32, #tpu.memory_space<vmem>>, vector<8x128x64xf32>
    %get3A_3 = arith.constant 0 : index
    %get3A_4 = arith.constant 0 : index
    %get3A_5 = vector.load %arg1[%get3A_3, %get3A_4] : memref<8x64xf32, #tpu.memory_space<vmem>>, vector<8x64xf32>
    %get3A_6 = arith.constant 0 : index
    %get3A_7 = arith.constant 0 : index
    %get3A_8 = vector.load %arg3[%get3A_6, %get3A_7] : memref<8x128xf32, #tpu.memory_space<vmem>>, vector<8x128xf32>
    %get3A_9 = arith.constant 0 : index
    %get3A_10 = arith.constant 0 : index
    %get3A_11 = vector.load %arg4[%get3A_9, %get3A_10] : memref<8x1xf32, #tpu.memory_space<vmem>>, vector<8x1xf32>
    %slice3A = vector.extract_strided_slice %get3A_2 {offsets = [0, 0, 0], sizes = [1, 128, 64], strides = [1, 1, 1]} : vector<8x128x64xf32> to vector<1x128x64xf32>
    %squeeze3A = vector.shape_cast %slice3A : vector<1x128x64xf32> to vector<128x64xf32>
    %dot_general3A = arith.constant dense<0.000000e+00> : vector<128x128xf32>
    %dot_general3A_12 = tpu.matmul %squeeze3A, %squeeze3A, %dot_general3A {dimension_numbers = #tpu.dot_dimension_numbers<[1], [1], [0], [0], [0, 0, 1, 0], [], []>, transpose_lhs_hint = false} : vector<128x64xf32>, vector<128x64xf32>, vector<128x128xf32> -> vector<128x128xf32>
    %slice3A_13 = vector.extract_strided_slice %get3A_2 {offsets = [1, 0, 0], sizes = [1, 128, 64], strides = [1, 1, 1]} : vector<8x128x64xf32> to vector<1x128x64xf32>
    %squeeze3A_14 = vector.shape_cast %slice3A_13 : vector<1x128x64xf32> to vector<128x64xf32>
    %dot_general3A_15 = arith.constant dense<0.000000e+00> : vector<128x128xf32>
    %dot_general3A_16 = tpu.matmul %squeeze3A_14, %squeeze3A_14, %dot_general3A_15 {dimension_numbers = #tpu.dot_dimension_numbers<[1], [1], [0], [0], [0, 0, 1, 0], [], []>, transpose_lhs_hint = false} : vector<128x64xf32>, vector<128x64xf32>, vector<128x128xf32> -> vector<128x128xf32>
    %slice3A_17 = vector.extract_strided_slice %get3A_2 {offsets = [2, 0, 0], sizes = [1, 128, 64], strides = [1, 1, 1]} : vector<8x128x64xf32> to vector<1x128x64xf32>
    %squeeze3A_18 = vector.shape_cast %slice3A_17 : vector<1x128x64xf32> to vector<128x64xf32>
    %dot_general3A_19 = arith.constant dense<0.000000e+00> : vector<128x128xf32>
    %dot_general3A_20 = tpu.matmul %squeeze3A_18, %squeeze3A_18, %dot_general3A_19 {dimension_numbers = #tpu.dot_dimension_numbers<[1], [1], [0], [0], [0, 0, 1, 0], [], []>, transpose_lhs_hint = false} : vector<128x64xf32>, vector<128x64xf32>, vector<128x128xf32> -> vector<128x128xf32>
    %slice3A_21 = vector.extract_strided_slice %get3A_2 {offsets = [3, 0, 0], sizes = [1, 128, 64], strides = [1, 1, 1]} : vector<8x128x64xf32> to vector<1x128x64xf32>
    %squeeze3A_22 = vector.shape_cast %slice3A_21 : vector<1x128x64xf32> to vector<128x64xf32>
    %dot_general3A_23 = arith.constant dense<0.000000e+00> : vector<128x128xf32>
    %dot_general3A_24 = tpu.matmul %squeeze3A_22, %squeeze3A_22, %dot_general3A_23 {dimension_numbers = #tpu.dot_dimension_numbers<[1], [1], [0], [0], [0, 0, 1, 0], [], []>, transpose_lhs_hint = false} : vector<128x64xf32>, vector<128x64xf32>, vector<128x128xf32> -> vector<128x128xf32>
    %slice3A_25 = vector.extract_strided_slice %get3A_2 {offsets = [4, 0, 0], sizes = [1, 128, 64], strides = [1, 1, 1]} : vector<8x128x64xf32> to vector<1x128x64xf32>
    %squeeze3A_26 = vector.shape_cast %slice3A_25 : vector<1x128x64xf32> to vector<128x64xf32>
    %dot_general3A_27 = arith.constant dense<0.000000e+00> : vector<128x128xf32>
    %dot_general3A_28 = tpu.matmul %squeeze3A_26, %squeeze3A_26, %dot_general3A_27 {dimension_numbers = #tpu.dot_dimension_numbers<[1], [1], [0], [0], [0, 0, 1, 0], [], []>, transpose_lhs_hint = false} : vector<128x64xf32>, vector<128x64xf32>, vector<128x128xf32> -> vector<128x128xf32>
    %slice3A_29 = vector.extract_strided_slice %get3A_2 {offsets = [5, 0, 0], sizes = [1, 128, 64], strides = [1, 1, 1]} : vector<8x128x64xf32> to vector<1x128x64xf32>
    %squeeze3A_30 = vector.shape_cast %slice3A_29 : vector<1x128x64xf32> to vector<128x64xf32>
    %dot_general3A_31 = arith.constant dense<0.000000e+00> : vector<128x128xf32>
    %dot_general3A_32 = tpu.matmul %squeeze3A_30, %squeeze3A_30, %dot_general3A_31 {dimension_numbers = #tpu.dot_dimension_numbers<[1], [1], [0], [0], [0, 0, 1, 0], [], []>, transpose_lhs_hint = false} : vector<128x64xf32>, vector<128x64xf32>, vector<128x128xf32> -> vector<128x128xf32>
    %slice3A_33 = vector.extract_strided_slice %get3A_2 {offsets = [6, 0, 0], sizes = [1, 128, 64], strides = [1, 1, 1]} : vector<8x128x64xf32> to vector<1x128x64xf32>
    %squeeze3A_34 = vector.shape_cast %slice3A_33 : vector<1x128x64xf32> to vector<128x64xf32>
    %dot_general3A_35 = arith.constant dense<0.000000e+00> : vector<128x128xf32>
    %dot_general3A_36 = tpu.matmul %squeeze3A_34, %squeeze3A_34, %dot_general3A_35 {dimension_numbers = #tpu.dot_dimension_numbers<[1], [1], [0], [0], [0, 0, 1, 0], [], []>, transpose_lhs_hint = false} : vector<128x64xf32>, vector<128x64xf32>, vector<128x128xf32> -> vector<128x128xf32>
    %slice3A_37 = vector.extract_strided_slice %get3A_2 {offsets = [7, 0, 0], sizes = [1, 128, 64], strides = [1, 1, 1]} : vector<8x128x64xf32> to vector<1x128x64xf32>
    %squeeze3A_38 = vector.shape_cast %slice3A_37 : vector<1x128x64xf32> to vector<128x64xf32>
    %dot_general3A_39 = arith.constant dense<0.000000e+00> : vector<128x128xf32>
    %dot_general3A_40 = tpu.matmul %squeeze3A_38, %squeeze3A_38, %dot_general3A_39 {dimension_numbers = #tpu.dot_dimension_numbers<[1], [1], [0], [0], [0, 0, 1, 0], [], []>, transpose_lhs_hint = false} : vector<128x64xf32>, vector<128x64xf32>, vector<128x128xf32> -> vector<128x128xf32>
    %stack3A = vector.shape_cast %dot_general3A_12 : vector<128x128xf32> to vector<1x128x128xf32>
    %stack3A_41 = vector.shape_cast %dot_general3A_16 : vector<128x128xf32> to vector<1x128x128xf32>
    %stack3A_42 = vector.shape_cast %dot_general3A_20 : vector<128x128xf32> to vector<1x128x128xf32>
    %stack3A_43 = vector.shape_cast %dot_general3A_24 : vector<128x128xf32> to vector<1x128x128xf32>
    %stack3A_44 = vector.shape_cast %dot_general3A_28 : vector<128x128xf32> to vector<1x128x128xf32>
    %stack3A_45 = vector.shape_cast %dot_general3A_32 : vector<128x128xf32> to vector<1x128x128xf32>
    %stack3A_46 = vector.shape_cast %dot_general3A_36 : vector<128x128xf32> to vector<1x128x128xf32>
    %stack3A_47 = vector.shape_cast %dot_general3A_40 : vector<128x128xf32> to vector<1x128x128xf32>
    %stack3A_48 = tpu.concatenate %stack3A, %stack3A_41, %stack3A_42, %stack3A_43, %stack3A_44, %stack3A_45, %stack3A_46, %stack3A_47 in 0 : vector<1x128x128xf32>, vector<1x128x128xf32>, vector<1x128x128xf32>, vector<1x128x128xf32>, vector<1x128x128xf32>, vector<1x128x128xf32>, vector<1x128x128xf32>, vector<1x128x128xf32> -> vector<8x128x128xf32>
    %convert_element_type3A = arith.truncf %get3A_2 : vector<8x128x64xf32> to vector<8x128x64xbf16>
    %convert_element_type3A_49 = arith.extf %convert_element_type3A : vector<8x128x64xbf16> to vector<8x128x64xf32>
    %convert_element_type3A_50 = arith.truncf %get3A_5 : vector<8x64xf32> to vector<8x64xbf16>
    %convert_element_type3A_51 = arith.extf %convert_element_type3A_50 : vector<8x64xbf16> to vector<8x64xf32>
    %broadcast_in_dim3A = vector.shape_cast %convert_element_type3A_51 : vector<8x64xf32> to vector<8x1x64xf32>
    %mul3A = vector.broadcast %broadcast_in_dim3A : vector<8x1x64xf32> to vector<8x128x64xf32>
    %mul3A_52 = arith.mulf %convert_element_type3A_49, %mul3A : vector<8x128x64xf32>
    %reduce_sum3A = arith.constant dense<0.000000e+00> : vector<8x128xf32>
    %reduce_sum3A_53 = vector.multi_reduction <add>, %mul3A_52, %reduce_sum3A [2] : vector<8x128x64xf32> to vector<8x128xf32>
    %mul3A_54 = arith.mulf %get3A_2, %get3A_2 : vector<8x128x64xf32>
    %reduce_sum3A_55 = arith.constant dense<0.000000e+00> : vector<8x128xf32>
    %reduce_sum3A_56 = vector.multi_reduction <add>, %mul3A_54, %reduce_sum3A_55 [2] : vector<8x128x64xf32> to vector<8x128xf32>
    %mul3A_57 = arith.mulf %get3A_5, %get3A_5 : vector<8x64xf32>
    %reduce_sum3A_58 = arith.constant dense<0.000000e+00> : vector<8xf32>
    %reduce_sum3A_59 = vector.multi_reduction <add>, %mul3A_57, %reduce_sum3A_58 [1] : vector<8x64xf32> to vector<8xf32>
    %broadcast_in_dim3A_60 = vector.shape_cast %reduce_sum3A_56 : vector<8x128xf32> to vector<8x128x1xf32>
    %broadcast_in_dim3A_61 = vector.shape_cast %reduce_sum3A_56 : vector<8x128xf32> to vector<8x1x128xf32>
    %add3A = vector.broadcast %broadcast_in_dim3A_60 : vector<8x128x1xf32> to vector<8x128x128xf32>
    %add3A_62 = vector.broadcast %broadcast_in_dim3A_61 : vector<8x1x128xf32> to vector<8x128x128xf32>
    %add3A_63 = arith.addf %add3A, %add3A_62 : vector<8x128x128xf32>
    %mul3A_64 = arith.constant 2.000000e+00 : f32
    %mul3A_65 = vector.broadcast %mul3A_64 : f32 to vector<8x128x128xf32>
    %mul3A_66 = arith.mulf %mul3A_65, %stack3A_48 : vector<8x128x128xf32>
    %sub3A = arith.subf %add3A_63, %mul3A_66 : vector<8x128x128xf32>
    %max3A = arith.constant 9.99999996E-13 : f32
    %max3A_67 = vector.broadcast %max3A : f32 to vector<8x128x128xf32>
    %max3A_68 = arith.maximumf %sub3A, %max3A_67 : vector<8x128x128xf32>
    %sqrt3A = math.sqrt %max3A_68 : vector<8x128x128xf32>
    %neg3A = arith.constant 0.000000e+00 : f32
    %neg3A_69 = vector.broadcast %neg3A : f32 to vector<8x128x128xf32>
    %neg3A_70 = arith.subf %neg3A_69, %sqrt3A : vector<8x128x128xf32>
    %mul3A_71 = arith.constant 1.250000e-01 : f32
    %mul3A_72 = vector.broadcast %mul3A_71 : f32 to vector<8x128x128xf32>
    %mul3A_73 = arith.mulf %neg3A_70, %mul3A_72 : vector<8x128x128xf32>
    %exp3A = math.exp %mul3A_73 : vector<8x128x128xf32>
    %broadcast_in_dim3A_74 = vector.shape_cast %reduce_sum3A_59 : vector<8xf32> to vector<8x1xf32>
    %add3A_75 = vector.broadcast %broadcast_in_dim3A_74 : vector<8x1xf32> to vector<8x128xf32>
    %add3A_76 = arith.addf %reduce_sum3A_56, %add3A_75 : vector<8x128xf32>
    %mul3A_77 = arith.constant 2.000000e+00 : f32
    %mul3A_78 = vector.broadcast %mul3A_77 : f32 to vector<8x128xf32>
    %mul3A_79 = arith.mulf %mul3A_78, %reduce_sum3A_53 : vector<8x128xf32>
    %sub3A_80 = arith.subf %add3A_76, %mul3A_79 : vector<8x128xf32>
    %max3A_81 = arith.constant 9.99999996E-13 : f32
    %max3A_82 = vector.broadcast %max3A_81 : f32 to vector<8x128xf32>
    %max3A_83 = arith.maximumf %sub3A_80, %max3A_82 : vector<8x128xf32>
    %sqrt3A_84 = math.sqrt %max3A_83 : vector<8x128xf32>
    %neg3A_85 = arith.constant 0.000000e+00 : f32
    %neg3A_86 = vector.broadcast %neg3A_85 : f32 to vector<8x128xf32>
    %neg3A_87 = arith.subf %neg3A_86, %sqrt3A_84 : vector<8x128xf32>
    %mul3A_88 = arith.constant 1.250000e-01 : f32
    %mul3A_89 = vector.broadcast %mul3A_88 : f32 to vector<8x128xf32>
    %mul3A_90 = arith.mulf %neg3A_87, %mul3A_89 : vector<8x128xf32>
    %exp3A_91 = math.exp %mul3A_90 : vector<8x128xf32>
    %mul3A_92 = vector.broadcast %get3A_11 : vector<8x1xf32> to vector<8x128xf32>
    %mul3A_93 = arith.mulf %mul3A_92, %exp3A_91 : vector<8x128xf32>
    %iota3A = tpu.iota {dimensions = array<i32: 1>} : vector<1x128x1xi32>
    %iota3A_94 = tpu.iota {dimensions = array<i32: 2>} : vector<1x1x128xi32>
    %scan3A = arith.constant 0 : i32
    %scan3A_95 = arith.constant 128 : i32
    %scan3A_96 = arith.addi %scan3A, %scan3A_95 : i32
    %scan3A_97 = arith.constant 1 : i32
    %scan3A_98 = scf.for %scan3A_344 = %scan3A to %scan3A_96 step %scan3A_97 iter_args(%scan3A_345 = %exp3A) -> (vector<8x128x128xf32>)  : i32 {
      %eq3A_346 = vector.broadcast %scan3A_344 : i32 to vector<1x128x1xi32>
      %eq3A_347 = arith.cmpi eq, %iota3A, %eq3A_346 : vector<1x128x1xi32>
      %eq3A_348 = vector.broadcast %scan3A_344 : i32 to vector<1x1x128xi32>
      %eq3A_349 = arith.cmpi eq, %iota3A_94, %eq3A_348 : vector<1x1x128xi32>
      %jit3A_350 = arith.constant 0.000000e+00 : f32
      %broadcast_in_dim3A_351 = vector.shape_cast %eq3A_347 : vector<1x128x1xi1> to vector<1x128x1xi1>
      %broadcast_in_dim3A_352 = vector.broadcast %broadcast_in_dim3A_351 : vector<1x128x1xi1> to vector<8x128x128xi1>
      %broadcast_in_dim3A_353 = vector.broadcast %jit3A_350 : f32 to vector<8x128x128xf32>
      %select_n3A_354 = arith.select %broadcast_in_dim3A_352, %scan3A_345, %broadcast_in_dim3A_353 : vector<8x128x128xi1>, vector<8x128x128xf32>
      %reduce_sum3A_355 = arith.constant dense<0.000000e+00> : vector<8x128xf32>
      %reduce_sum3A_356 = vector.multi_reduction <add>, %select_n3A_354, %reduce_sum3A_355 [1] : vector<8x128x128xf32> to vector<8x128xf32>
      %broadcast_in_dim3A_357 = vector.shape_cast %reduce_sum3A_356 : vector<8x128xf32> to vector<8x1x128xf32>
      %jit3A_358 = arith.constant 0.000000e+00 : f32
      %broadcast_in_dim3A_359 = vector.shape_cast %eq3A_349 : vector<1x1x128xi1> to vector<1x1x128xi1>
      %broadcast_in_dim3A_360 = vector.broadcast %broadcast_in_dim3A_359 : vector<1x1x128xi1> to vector<8x1x128xi1>
      %broadcast_in_dim3A_361 = vector.broadcast %jit3A_358 : f32 to vector<8x1x128xf32>
      %select_n3A_362 = arith.select %broadcast_in_dim3A_360, %broadcast_in_dim3A_357, %broadcast_in_dim3A_361 : vector<8x1x128xi1>, vector<8x1x128xf32>
      %reduce_sum3A_363 = arith.constant dense<0.000000e+00> : vector<8x1xf32>
      %reduce_sum3A_364 = vector.multi_reduction <add>, %select_n3A_362, %reduce_sum3A_363 [2] : vector<8x1x128xf32> to vector<8x1xf32>
      %broadcast_in_dim3A_365 = vector.shape_cast %reduce_sum3A_364 : vector<8x1xf32> to vector<8x1x1xf32>
      %jit3A_366 = arith.constant 0.000000e+00 : f32
      %broadcast_in_dim3A_367 = vector.shape_cast %eq3A_349 : vector<1x1x128xi1> to vector<1x1x128xi1>
      %broadcast_in_dim3A_368 = vector.broadcast %broadcast_in_dim3A_367 : vector<1x1x128xi1> to vector<8x128x128xi1>
      %broadcast_in_dim3A_369 = vector.broadcast %jit3A_366 : f32 to vector<8x128x128xf32>
      %select_n3A_370 = arith.select %broadcast_in_dim3A_368, %scan3A_345, %broadcast_in_dim3A_369 : vector<8x128x128xi1>, vector<8x128x128xf32>
      %reduce_sum3A_371 = arith.constant dense<0.000000e+00> : vector<8x128xf32>
      %reduce_sum3A_372 = vector.multi_reduction <add>, %select_n3A_370, %reduce_sum3A_371 [2] : vector<8x128x128xf32> to vector<8x128xf32>
      %broadcast_in_dim3A_373 = vector.shape_cast %reduce_sum3A_372 : vector<8x128xf32> to vector<8x128x1xf32>
      %div3A_374 = arith.constant 1.000000e+00 : f32
      %div3A_375 = vector.broadcast %div3A_374 : f32 to vector<8x1x1xf32>
      %div3A_376 = arith.divf %div3A_375, %broadcast_in_dim3A_365 : vector<8x1x1xf32>
      %mul3A_377 = vector.broadcast %div3A_376 : vector<8x1x1xf32> to vector<8x1x128xf32>
      %mul3A_378 = arith.mulf %broadcast_in_dim3A_357, %mul3A_377 : vector<8x1x128xf32>
      %broadcast_in_dim3A_379 = vector.shape_cast %eq3A_349 : vector<1x1x128xi1> to vector<1x1x128xi1>
      %broadcast_in_dim3A_380 = vector.broadcast %broadcast_in_dim3A_379 : vector<1x1x128xi1> to vector<8x1x128xi1>
      %broadcast_in_dim3A_381 = vector.shape_cast %div3A_376 : vector<8x1x1xf32> to vector<8x1x1xf32>
      %broadcast_in_dim3A_382 = vector.broadcast %broadcast_in_dim3A_381 : vector<8x1x1xf32> to vector<8x1x128xf32>
      %select_n3A_383 = arith.select %broadcast_in_dim3A_380, %broadcast_in_dim3A_382, %mul3A_378 : vector<8x1x128xi1>, vector<8x1x128xf32>
      %jit3A_384 = arith.constant 0.000000e+00 : f32
      %broadcast_in_dim3A_385 = vector.shape_cast %eq3A_347 : vector<1x128x1xi1> to vector<1x128x1xi1>
      %broadcast_in_dim3A_386 = vector.broadcast %broadcast_in_dim3A_385 : vector<1x128x1xi1> to vector<8x128x1xi1>
      %broadcast_in_dim3A_387 = vector.broadcast %jit3A_384 : f32 to vector<8x128x1xf32>
      %select_n3A_388 = arith.select %broadcast_in_dim3A_386, %broadcast_in_dim3A_387, %broadcast_in_dim3A_373 : vector<8x128x1xi1>, vector<8x128x1xf32>
      %jit3A_389 = arith.constant 1.000000e+00 : f32
      %jit3A_390 = arith.constant 0.000000e+00 : f32
      %broadcast_in_dim3A_391 = vector.broadcast %jit3A_389 : f32 to vector<1x1x128xf32>
      %broadcast_in_dim3A_392 = vector.broadcast %jit3A_390 : f32 to vector<1x1x128xf32>
      %select_n3A_393 = arith.select %eq3A_349, %broadcast_in_dim3A_391, %broadcast_in_dim3A_392 : vector<1x1x128xi1>, vector<1x1x128xf32>
      %add3A_394 = vector.broadcast %select_n3A_393 : vector<1x1x128xf32> to vector<8x1x128xf32>
      %add3A_395 = arith.addf %select_n3A_383, %add3A_394 : vector<8x1x128xf32>
      %mul3A_396 = vector.broadcast %select_n3A_388 : vector<8x128x1xf32> to vector<8x128x128xf32>
      %mul3A_397 = vector.broadcast %add3A_395 : vector<8x1x128xf32> to vector<8x128x128xf32>
      %mul3A_398 = arith.mulf %mul3A_396, %mul3A_397 : vector<8x128x128xf32>
      %sub3A_399 = arith.subf %scan3A_345, %mul3A_398 : vector<8x128x128xf32>
      %broadcast_in_dim3A_400 = vector.shape_cast %eq3A_347 : vector<1x128x1xi1> to vector<1x128x1xi1>
      %broadcast_in_dim3A_401 = vector.broadcast %broadcast_in_dim3A_400 : vector<1x128x1xi1> to vector<8x128x128xi1>
      %broadcast_in_dim3A_402 = vector.shape_cast %select_n3A_383 : vector<8x1x128xf32> to vector<8x1x128xf32>
      %broadcast_in_dim3A_403 = vector.broadcast %broadcast_in_dim3A_402 : vector<8x1x128xf32> to vector<8x128x128xf32>
      %select_n3A_404 = arith.select %broadcast_in_dim3A_401, %broadcast_in_dim3A_403, %sub3A_399 : vector<8x128x128xi1>, vector<8x128x128xf32>
      scf.yield %select_n3A_404 : vector<8x128x128xf32>
    }
    %scan3A_99 = arith.constant 128 : i32
    %slice3A_100 = vector.extract_strided_slice %scan3A_98 {offsets = [0, 0, 0], sizes = [1, 128, 128], strides = [1, 1, 1]} : vector<8x128x128xf32> to vector<1x128x128xf32>
    %squeeze3A_101 = vector.shape_cast %slice3A_100 : vector<1x128x128xf32> to vector<128x128xf32>
    %slice3A_102 = vector.extract_strided_slice %exp3A {offsets = [0, 0, 0], sizes = [1, 128, 128], strides = [1, 1, 1]} : vector<8x128x128xf32> to vector<1x128x128xf32>
    %squeeze3A_103 = vector.shape_cast %slice3A_102 : vector<1x128x128xf32> to vector<128x128xf32>
    %dot_general3A_104 = arith.constant dense<0.000000e+00> : vector<128x128xf32>
    %dot_general3A_105 = tpu.matmul %squeeze3A_103, %squeeze3A_101, %dot_general3A_104 {dimension_numbers = #tpu.dot_dimension_numbers<[1], [0], [0], [1], [0, 0, 1, 1], [], []>, precision = #tpu.contract_precision<fp32>, transpose_lhs_hint = false} : vector<128x128xf32>, vector<128x128xf32>, vector<128x128xf32> -> vector<128x128xf32>
    %mul3A_106 = arith.constant 2.000000e+00 : f32
    %mul3A_107 = vector.broadcast %mul3A_106 : f32 to vector<128x128xf32>
    %mul3A_108 = arith.mulf %mul3A_107, %squeeze3A_101 : vector<128x128xf32>
    %dot_general3A_109 = arith.constant dense<0.000000e+00> : vector<128x128xf32>
    %dot_general3A_110 = tpu.matmul %squeeze3A_101, %dot_general3A_105, %dot_general3A_109 {dimension_numbers = #tpu.dot_dimension_numbers<[1], [0], [0], [1], [0, 0, 1, 1], [], []>, precision = #tpu.contract_precision<fp32>, transpose_lhs_hint = false} : vector<128x128xf32>, vector<128x128xf32>, vector<128x128xf32> -> vector<128x128xf32>
    %sub3A_111 = arith.subf %mul3A_108, %dot_general3A_110 : vector<128x128xf32>
    %slice3A_112 = vector.extract_strided_slice %scan3A_98 {offsets = [1, 0, 0], sizes = [1, 128, 128], strides = [1, 1, 1]} : vector<8x128x128xf32> to vector<1x128x128xf32>
    %squeeze3A_113 = vector.shape_cast %slice3A_112 : vector<1x128x128xf32> to vector<128x128xf32>
    %slice3A_114 = vector.extract_strided_slice %exp3A {offsets = [1, 0, 0], sizes = [1, 128, 128], strides = [1, 1, 1]} : vector<8x128x128xf32> to vector<1x128x128xf32>
    %squeeze3A_115 = vector.shape_cast %slice3A_114 : vector<1x128x128xf32> to vector<128x128xf32>
    %dot_general3A_116 = arith.constant dense<0.000000e+00> : vector<128x128xf32>
    %dot_general3A_117 = tpu.matmul %squeeze3A_115, %squeeze3A_113, %dot_general3A_116 {dimension_numbers = #tpu.dot_dimension_numbers<[1], [0], [0], [1], [0, 0, 1, 1], [], []>, precision = #tpu.contract_precision<fp32>, transpose_lhs_hint = false} : vector<128x128xf32>, vector<128x128xf32>, vector<128x128xf32> -> vector<128x128xf32>
    %mul3A_118 = arith.constant 2.000000e+00 : f32
    %mul3A_119 = vector.broadcast %mul3A_118 : f32 to vector<128x128xf32>
    %mul3A_120 = arith.mulf %mul3A_119, %squeeze3A_113 : vector<128x128xf32>
    %dot_general3A_121 = arith.constant dense<0.000000e+00> : vector<128x128xf32>
    %dot_general3A_122 = tpu.matmul %squeeze3A_113, %dot_general3A_117, %dot_general3A_121 {dimension_numbers = #tpu.dot_dimension_numbers<[1], [0], [0], [1], [0, 0, 1, 1], [], []>, precision = #tpu.contract_precision<fp32>, transpose_lhs_hint = false} : vector<128x128xf32>, vector<128x128xf32>, vector<128x128xf32> -> vector<128x128xf32>
    %sub3A_123 = arith.subf %mul3A_120, %dot_general3A_122 : vector<128x128xf32>
    %slice3A_124 = vector.extract_strided_slice %scan3A_98 {offsets = [2, 0, 0], sizes = [1, 128, 128], strides = [1, 1, 1]} : vector<8x128x128xf32> to vector<1x128x128xf32>
    %squeeze3A_125 = vector.shape_cast %slice3A_124 : vector<1x128x128xf32> to vector<128x128xf32>
    %slice3A_126 = vector.extract_strided_slice %exp3A {offsets = [2, 0, 0], sizes = [1, 128, 128], strides = [1, 1, 1]} : vector<8x128x128xf32> to vector<1x128x128xf32>
    %squeeze3A_127 = vector.shape_cast %slice3A_126 : vector<1x128x128xf32> to vector<128x128xf32>
    %dot_general3A_128 = arith.constant dense<0.000000e+00> : vector<128x128xf32>
    %dot_general3A_129 = tpu.matmul %squeeze3A_127, %squeeze3A_125, %dot_general3A_128 {dimension_numbers = #tpu.dot_dimension_numbers<[1], [0], [0], [1], [0, 0, 1, 1], [], []>, precision = #tpu.contract_precision<fp32>, transpose_lhs_hint = false} : vector<128x128xf32>, vector<128x128xf32>, vector<128x128xf32> -> vector<128x128xf32>
    %mul3A_130 = arith.constant 2.000000e+00 : f32
    %mul3A_131 = vector.broadcast %mul3A_130 : f32 to vector<128x128xf32>
    %mul3A_132 = arith.mulf %mul3A_131, %squeeze3A_125 : vector<128x128xf32>
    %dot_general3A_133 = arith.constant dense<0.000000e+00> : vector<128x128xf32>
    %dot_general3A_134 = tpu.matmul %squeeze3A_125, %dot_general3A_129, %dot_general3A_133 {dimension_numbers = #tpu.dot_dimension_numbers<[1], [0], [0], [1], [0, 0, 1, 1], [], []>, precision = #tpu.contract_precision<fp32>, transpose_lhs_hint = false} : vector<128x128xf32>, vector<128x128xf32>, vector<128x128xf32> -> vector<128x128xf32>
    %sub3A_135 = arith.subf %mul3A_132, %dot_general3A_134 : vector<128x128xf32>
    %slice3A_136 = vector.extract_strided_slice %scan3A_98 {offsets = [3, 0, 0], sizes = [1, 128, 128], strides = [1, 1, 1]} : vector<8x128x128xf32> to vector<1x128x128xf32>
    %squeeze3A_137 = vector.shape_cast %slice3A_136 : vector<1x128x128xf32> to vector<128x128xf32>
    %slice3A_138 = vector.extract_strided_slice %exp3A {offsets = [3, 0, 0], sizes = [1, 128, 128], strides = [1, 1, 1]} : vector<8x128x128xf32> to vector<1x128x128xf32>
    %squeeze3A_139 = vector.shape_cast %slice3A_138 : vector<1x128x128xf32> to vector<128x128xf32>
    %dot_general3A_140 = arith.constant dense<0.000000e+00> : vector<128x128xf32>
    %dot_general3A_141 = tpu.matmul %squeeze3A_139, %squeeze3A_137, %dot_general3A_140 {dimension_numbers = #tpu.dot_dimension_numbers<[1], [0], [0], [1], [0, 0, 1, 1], [], []>, precision = #tpu.contract_precision<fp32>, transpose_lhs_hint = false} : vector<128x128xf32>, vector<128x128xf32>, vector<128x128xf32> -> vector<128x128xf32>
    %mul3A_142 = arith.constant 2.000000e+00 : f32
    %mul3A_143 = vector.broadcast %mul3A_142 : f32 to vector<128x128xf32>
    %mul3A_144 = arith.mulf %mul3A_143, %squeeze3A_137 : vector<128x128xf32>
    %dot_general3A_145 = arith.constant dense<0.000000e+00> : vector<128x128xf32>
    %dot_general3A_146 = tpu.matmul %squeeze3A_137, %dot_general3A_141, %dot_general3A_145 {dimension_numbers = #tpu.dot_dimension_numbers<[1], [0], [0], [1], [0, 0, 1, 1], [], []>, precision = #tpu.contract_precision<fp32>, transpose_lhs_hint = false} : vector<128x128xf32>, vector<128x128xf32>, vector<128x128xf32> -> vector<128x128xf32>
    %sub3A_147 = arith.subf %mul3A_144, %dot_general3A_146 : vector<128x128xf32>
    %slice3A_148 = vector.extract_strided_slice %scan3A_98 {offsets = [4, 0, 0], sizes = [1, 128, 128], strides = [1, 1, 1]} : vector<8x128x128xf32> to vector<1x128x128xf32>
    %squeeze3A_149 = vector.shape_cast %slice3A_148 : vector<1x128x128xf32> to vector<128x128xf32>
    %slice3A_150 = vector.extract_strided_slice %exp3A {offsets = [4, 0, 0], sizes = [1, 128, 128], strides = [1, 1, 1]} : vector<8x128x128xf32> to vector<1x128x128xf32>
    %squeeze3A_151 = vector.shape_cast %slice3A_150 : vector<1x128x128xf32> to vector<128x128xf32>
    %dot_general3A_152 = arith.constant dense<0.000000e+00> : vector<128x128xf32>
    %dot_general3A_153 = tpu.matmul %squeeze3A_151, %squeeze3A_149, %dot_general3A_152 {dimension_numbers = #tpu.dot_dimension_numbers<[1], [0], [0], [1], [0, 0, 1, 1], [], []>, precision = #tpu.contract_precision<fp32>, transpose_lhs_hint = false} : vector<128x128xf32>, vector<128x128xf32>, vector<128x128xf32> -> vector<128x128xf32>
    %mul3A_154 = arith.constant 2.000000e+00 : f32
    %mul3A_155 = vector.broadcast %mul3A_154 : f32 to vector<128x128xf32>
    %mul3A_156 = arith.mulf %mul3A_155, %squeeze3A_149 : vector<128x128xf32>
    %dot_general3A_157 = arith.constant dense<0.000000e+00> : vector<128x128xf32>
    %dot_general3A_158 = tpu.matmul %squeeze3A_149, %dot_general3A_153, %dot_general3A_157 {dimension_numbers = #tpu.dot_dimension_numbers<[1], [0], [0], [1], [0, 0, 1, 1], [], []>, precision = #tpu.contract_precision<fp32>, transpose_lhs_hint = false} : vector<128x128xf32>, vector<128x128xf32>, vector<128x128xf32> -> vector<128x128xf32>
    %sub3A_159 = arith.subf %mul3A_156, %dot_general3A_158 : vector<128x128xf32>
    %slice3A_160 = vector.extract_strided_slice %scan3A_98 {offsets = [5, 0, 0], sizes = [1, 128, 128], strides = [1, 1, 1]} : vector<8x128x128xf32> to vector<1x128x128xf32>
    %squeeze3A_161 = vector.shape_cast %slice3A_160 : vector<1x128x128xf32> to vector<128x128xf32>
    %slice3A_162 = vector.extract_strided_slice %exp3A {offsets = [5, 0, 0], sizes = [1, 128, 128], strides = [1, 1, 1]} : vector<8x128x128xf32> to vector<1x128x128xf32>
    %squeeze3A_163 = vector.shape_cast %slice3A_162 : vector<1x128x128xf32> to vector<128x128xf32>
    %dot_general3A_164 = arith.constant dense<0.000000e+00> : vector<128x128xf32>
    %dot_general3A_165 = tpu.matmul %squeeze3A_163, %squeeze3A_161, %dot_general3A_164 {dimension_numbers = #tpu.dot_dimension_numbers<[1], [0], [0], [1], [0, 0, 1, 1], [], []>, precision = #tpu.contract_precision<fp32>, transpose_lhs_hint = false} : vector<128x128xf32>, vector<128x128xf32>, vector<128x128xf32> -> vector<128x128xf32>
    %mul3A_166 = arith.constant 2.000000e+00 : f32
    %mul3A_167 = vector.broadcast %mul3A_166 : f32 to vector<128x128xf32>
    %mul3A_168 = arith.mulf %mul3A_167, %squeeze3A_161 : vector<128x128xf32>
    %dot_general3A_169 = arith.constant dense<0.000000e+00> : vector<128x128xf32>
    %dot_general3A_170 = tpu.matmul %squeeze3A_161, %dot_general3A_165, %dot_general3A_169 {dimension_numbers = #tpu.dot_dimension_numbers<[1], [0], [0], [1], [0, 0, 1, 1], [], []>, precision = #tpu.contract_precision<fp32>, transpose_lhs_hint = false} : vector<128x128xf32>, vector<128x128xf32>, vector<128x128xf32> -> vector<128x128xf32>
    %sub3A_171 = arith.subf %mul3A_168, %dot_general3A_170 : vector<128x128xf32>
    %slice3A_172 = vector.extract_strided_slice %scan3A_98 {offsets = [6, 0, 0], sizes = [1, 128, 128], strides = [1, 1, 1]} : vector<8x128x128xf32> to vector<1x128x128xf32>
    %squeeze3A_173 = vector.shape_cast %slice3A_172 : vector<1x128x128xf32> to vector<128x128xf32>
    %slice3A_174 = vector.extract_strided_slice %exp3A {offsets = [6, 0, 0], sizes = [1, 128, 128], strides = [1, 1, 1]} : vector<8x128x128xf32> to vector<1x128x128xf32>
    %squeeze3A_175 = vector.shape_cast %slice3A_174 : vector<1x128x128xf32> to vector<128x128xf32>
    %dot_general3A_176 = arith.constant dense<0.000000e+00> : vector<128x128xf32>
    %dot_general3A_177 = tpu.matmul %squeeze3A_175, %squeeze3A_173, %dot_general3A_176 {dimension_numbers = #tpu.dot_dimension_numbers<[1], [0], [0], [1], [0, 0, 1, 1], [], []>, precision = #tpu.contract_precision<fp32>, transpose_lhs_hint = false} : vector<128x128xf32>, vector<128x128xf32>, vector<128x128xf32> -> vector<128x128xf32>
    %mul3A_178 = arith.constant 2.000000e+00 : f32
    %mul3A_179 = vector.broadcast %mul3A_178 : f32 to vector<128x128xf32>
    %mul3A_180 = arith.mulf %mul3A_179, %squeeze3A_173 : vector<128x128xf32>
    %dot_general3A_181 = arith.constant dense<0.000000e+00> : vector<128x128xf32>
    %dot_general3A_182 = tpu.matmul %squeeze3A_173, %dot_general3A_177, %dot_general3A_181 {dimension_numbers = #tpu.dot_dimension_numbers<[1], [0], [0], [1], [0, 0, 1, 1], [], []>, precision = #tpu.contract_precision<fp32>, transpose_lhs_hint = false} : vector<128x128xf32>, vector<128x128xf32>, vector<128x128xf32> -> vector<128x128xf32>
    %sub3A_183 = arith.subf %mul3A_180, %dot_general3A_182 : vector<128x128xf32>
    %slice3A_184 = vector.extract_strided_slice %scan3A_98 {offsets = [7, 0, 0], sizes = [1, 128, 128], strides = [1, 1, 1]} : vector<8x128x128xf32> to vector<1x128x128xf32>
    %squeeze3A_185 = vector.shape_cast %slice3A_184 : vector<1x128x128xf32> to vector<128x128xf32>
    %slice3A_186 = vector.extract_strided_slice %exp3A {offsets = [7, 0, 0], sizes = [1, 128, 128], strides = [1, 1, 1]} : vector<8x128x128xf32> to vector<1x128x128xf32>
    %squeeze3A_187 = vector.shape_cast %slice3A_186 : vector<1x128x128xf32> to vector<128x128xf32>
    %dot_general3A_188 = arith.constant dense<0.000000e+00> : vector<128x128xf32>
    %dot_general3A_189 = tpu.matmul %squeeze3A_187, %squeeze3A_185, %dot_general3A_188 {dimension_numbers = #tpu.dot_dimension_numbers<[1], [0], [0], [1], [0, 0, 1, 1], [], []>, precision = #tpu.contract_precision<fp32>, transpose_lhs_hint = false} : vector<128x128xf32>, vector<128x128xf32>, vector<128x128xf32> -> vector<128x128xf32>
    %mul3A_190 = arith.constant 2.000000e+00 : f32
    %mul3A_191 = vector.broadcast %mul3A_190 : f32 to vector<128x128xf32>
    %mul3A_192 = arith.mulf %mul3A_191, %squeeze3A_185 : vector<128x128xf32>
    %dot_general3A_193 = arith.constant dense<0.000000e+00> : vector<128x128xf32>
    %dot_general3A_194 = tpu.matmul %squeeze3A_185, %dot_general3A_189, %dot_general3A_193 {dimension_numbers = #tpu.dot_dimension_numbers<[1], [0], [0], [1], [0, 0, 1, 1], [], []>, precision = #tpu.contract_precision<fp32>, transpose_lhs_hint = false} : vector<128x128xf32>, vector<128x128xf32>, vector<128x128xf32> -> vector<128x128xf32>
    %sub3A_195 = arith.subf %mul3A_192, %dot_general3A_194 : vector<128x128xf32>
    %stack3A_196 = vector.shape_cast %sub3A_111 : vector<128x128xf32> to vector<1x128x128xf32>
    %stack3A_197 = vector.shape_cast %sub3A_123 : vector<128x128xf32> to vector<1x128x128xf32>
    %stack3A_198 = vector.shape_cast %sub3A_135 : vector<128x128xf32> to vector<1x128x128xf32>
    %stack3A_199 = vector.shape_cast %sub3A_147 : vector<128x128xf32> to vector<1x128x128xf32>
    %stack3A_200 = vector.shape_cast %sub3A_159 : vector<128x128xf32> to vector<1x128x128xf32>
    %stack3A_201 = vector.shape_cast %sub3A_171 : vector<128x128xf32> to vector<1x128x128xf32>
    %stack3A_202 = vector.shape_cast %sub3A_183 : vector<128x128xf32> to vector<1x128x128xf32>
    %stack3A_203 = vector.shape_cast %sub3A_195 : vector<128x128xf32> to vector<1x128x128xf32>
    %stack3A_204 = tpu.concatenate %stack3A_196, %stack3A_197, %stack3A_198, %stack3A_199, %stack3A_200, %stack3A_201, %stack3A_202, %stack3A_203 in 0 : vector<1x128x128xf32>, vector<1x128x128xf32>, vector<1x128x128xf32>, vector<1x128x128xf32>, vector<1x128x128xf32>, vector<1x128x128xf32>, vector<1x128x128xf32>, vector<1x128x128xf32> -> vector<8x128x128xf32>
    %broadcast_in_dim3A_205 = vector.shape_cast %get3A_11 : vector<8x1xf32> to vector<8x1x1xf32>
    %div3A = vector.broadcast %broadcast_in_dim3A_205 : vector<8x1x1xf32> to vector<8x128x128xf32>
    %div3A_206 = arith.divf %stack3A_204, %div3A : vector<8x128x128xf32>
    %convert_element_type3A_207 = arith.truncf %mul3A_93 : vector<8x128xf32> to vector<8x128xbf16>
    %convert_element_type3A_208 = arith.truncf %div3A_206 : vector<8x128x128xf32> to vector<8x128x128xbf16>
    %slice3A_209 = vector.extract_strided_slice %convert_element_type3A_207 {offsets = [0, 0], sizes = [1, 128], strides = [1, 1]} : vector<8x128xbf16> to vector<1x128xbf16>
    %slice3A_210 = vector.extract_strided_slice %convert_element_type3A_208 {offsets = [0, 0, 0], sizes = [1, 128, 128], strides = [1, 1, 1]} : vector<8x128x128xbf16> to vector<1x128x128xbf16>
    %squeeze3A_211 = vector.shape_cast %slice3A_210 : vector<1x128x128xbf16> to vector<128x128xbf16>
    %dot_general3A_212 = arith.constant dense<0.000000e+00> : vector<1x128xf32>
    %dot_general3A_213 = tpu.matmul %slice3A_209, %squeeze3A_211, %dot_general3A_212 {dimension_numbers = #tpu.dot_dimension_numbers<[1], [0], [0], [1], [0, 0, 1, 1], [], []>, transpose_lhs_hint = false} : vector<1x128xbf16>, vector<128x128xbf16>, vector<1x128xf32> -> vector<1x128xf32>
    %slice3A_214 = vector.extract_strided_slice %get3A_8 {offsets = [0, 0], sizes = [1, 128], strides = [1, 1]} : vector<8x128xf32> to vector<1x128xf32>
    %mul3A_215 = arith.mulf %dot_general3A_213, %slice3A_214 : vector<1x128xf32>
    %reduce_sum3A_216 = arith.constant dense<0.000000e+00> : vector<1xf32>
    %reduce_sum3A_217 = vector.multi_reduction <add>, %mul3A_215, %reduce_sum3A_216 [1] : vector<1x128xf32> to vector<1xf32>
    %broadcast_in_dim3A_218 = vector.shape_cast %reduce_sum3A_217 : vector<1xf32> to vector<1x1xf32>
    %slice3A_219 = vector.extract_strided_slice %mul3A_93 {offsets = [0, 0], sizes = [1, 128], strides = [1, 1]} : vector<8x128xf32> to vector<1x128xf32>
    %mul3A_220 = arith.mulf %dot_general3A_213, %slice3A_219 : vector<1x128xf32>
    %reduce_sum3A_221 = arith.constant dense<0.000000e+00> : vector<1xf32>
    %reduce_sum3A_222 = vector.multi_reduction <add>, %mul3A_220, %reduce_sum3A_221 [1] : vector<1x128xf32> to vector<1xf32>
    %broadcast_in_dim3A_223 = vector.shape_cast %reduce_sum3A_222 : vector<1xf32> to vector<1x1xf32>
    %slice3A_224 = vector.extract_strided_slice %convert_element_type3A_207 {offsets = [1, 0], sizes = [1, 128], strides = [1, 1]} : vector<8x128xbf16> to vector<1x128xbf16>
    %slice3A_225 = vector.extract_strided_slice %convert_element_type3A_208 {offsets = [1, 0, 0], sizes = [1, 128, 128], strides = [1, 1, 1]} : vector<8x128x128xbf16> to vector<1x128x128xbf16>
    %squeeze3A_226 = vector.shape_cast %slice3A_225 : vector<1x128x128xbf16> to vector<128x128xbf16>
    %dot_general3A_227 = arith.constant dense<0.000000e+00> : vector<1x128xf32>
    %dot_general3A_228 = tpu.matmul %slice3A_224, %squeeze3A_226, %dot_general3A_227 {dimension_numbers = #tpu.dot_dimension_numbers<[1], [0], [0], [1], [0, 0, 1, 1], [], []>, transpose_lhs_hint = false} : vector<1x128xbf16>, vector<128x128xbf16>, vector<1x128xf32> -> vector<1x128xf32>
    %slice3A_229 = vector.extract_strided_slice %get3A_8 {offsets = [1, 0], sizes = [1, 128], strides = [1, 1]} : vector<8x128xf32> to vector<1x128xf32>
    %mul3A_230 = arith.mulf %dot_general3A_228, %slice3A_229 : vector<1x128xf32>
    %reduce_sum3A_231 = arith.constant dense<0.000000e+00> : vector<1xf32>
    %reduce_sum3A_232 = vector.multi_reduction <add>, %mul3A_230, %reduce_sum3A_231 [1] : vector<1x128xf32> to vector<1xf32>
    %broadcast_in_dim3A_233 = vector.shape_cast %reduce_sum3A_232 : vector<1xf32> to vector<1x1xf32>
    %slice3A_234 = vector.extract_strided_slice %mul3A_93 {offsets = [1, 0], sizes = [1, 128], strides = [1, 1]} : vector<8x128xf32> to vector<1x128xf32>
    %mul3A_235 = arith.mulf %dot_general3A_228, %slice3A_234 : vector<1x128xf32>
    %reduce_sum3A_236 = arith.constant dense<0.000000e+00> : vector<1xf32>
    %reduce_sum3A_237 = vector.multi_reduction <add>, %mul3A_235, %reduce_sum3A_236 [1] : vector<1x128xf32> to vector<1xf32>
    %broadcast_in_dim3A_238 = vector.shape_cast %reduce_sum3A_237 : vector<1xf32> to vector<1x1xf32>
    %slice3A_239 = vector.extract_strided_slice %convert_element_type3A_207 {offsets = [2, 0], sizes = [1, 128], strides = [1, 1]} : vector<8x128xbf16> to vector<1x128xbf16>
    %slice3A_240 = vector.extract_strided_slice %convert_element_type3A_208 {offsets = [2, 0, 0], sizes = [1, 128, 128], strides = [1, 1, 1]} : vector<8x128x128xbf16> to vector<1x128x128xbf16>
    %squeeze3A_241 = vector.shape_cast %slice3A_240 : vector<1x128x128xbf16> to vector<128x128xbf16>
    %dot_general3A_242 = arith.constant dense<0.000000e+00> : vector<1x128xf32>
    %dot_general3A_243 = tpu.matmul %slice3A_239, %squeeze3A_241, %dot_general3A_242 {dimension_numbers = #tpu.dot_dimension_numbers<[1], [0], [0], [1], [0, 0, 1, 1], [], []>, transpose_lhs_hint = false} : vector<1x128xbf16>, vector<128x128xbf16>, vector<1x128xf32> -> vector<1x128xf32>
    %slice3A_244 = vector.extract_strided_slice %get3A_8 {offsets = [2, 0], sizes = [1, 128], strides = [1, 1]} : vector<8x128xf32> to vector<1x128xf32>
    %mul3A_245 = arith.mulf %dot_general3A_243, %slice3A_244 : vector<1x128xf32>
    %reduce_sum3A_246 = arith.constant dense<0.000000e+00> : vector<1xf32>
    %reduce_sum3A_247 = vector.multi_reduction <add>, %mul3A_245, %reduce_sum3A_246 [1] : vector<1x128xf32> to vector<1xf32>
    %broadcast_in_dim3A_248 = vector.shape_cast %reduce_sum3A_247 : vector<1xf32> to vector<1x1xf32>
    %slice3A_249 = vector.extract_strided_slice %mul3A_93 {offsets = [2, 0], sizes = [1, 128], strides = [1, 1]} : vector<8x128xf32> to vector<1x128xf32>
    %mul3A_250 = arith.mulf %dot_general3A_243, %slice3A_249 : vector<1x128xf32>
    %reduce_sum3A_251 = arith.constant dense<0.000000e+00> : vector<1xf32>
    %reduce_sum3A_252 = vector.multi_reduction <add>, %mul3A_250, %reduce_sum3A_251 [1] : vector<1x128xf32> to vector<1xf32>
    %broadcast_in_dim3A_253 = vector.shape_cast %reduce_sum3A_252 : vector<1xf32> to vector<1x1xf32>
    %slice3A_254 = vector.extract_strided_slice %convert_element_type3A_207 {offsets = [3, 0], sizes = [1, 128], strides = [1, 1]} : vector<8x128xbf16> to vector<1x128xbf16>
    %slice3A_255 = vector.extract_strided_slice %convert_element_type3A_208 {offsets = [3, 0, 0], sizes = [1, 128, 128], strides = [1, 1, 1]} : vector<8x128x128xbf16> to vector<1x128x128xbf16>
    %squeeze3A_256 = vector.shape_cast %slice3A_255 : vector<1x128x128xbf16> to vector<128x128xbf16>
    %dot_general3A_257 = arith.constant dense<0.000000e+00> : vector<1x128xf32>
    %dot_general3A_258 = tpu.matmul %slice3A_254, %squeeze3A_256, %dot_general3A_257 {dimension_numbers = #tpu.dot_dimension_numbers<[1], [0], [0], [1], [0, 0, 1, 1], [], []>, transpose_lhs_hint = false} : vector<1x128xbf16>, vector<128x128xbf16>, vector<1x128xf32> -> vector<1x128xf32>
    %slice3A_259 = vector.extract_strided_slice %get3A_8 {offsets = [3, 0], sizes = [1, 128], strides = [1, 1]} : vector<8x128xf32> to vector<1x128xf32>
    %mul3A_260 = arith.mulf %dot_general3A_258, %slice3A_259 : vector<1x128xf32>
    %reduce_sum3A_261 = arith.constant dense<0.000000e+00> : vector<1xf32>
    %reduce_sum3A_262 = vector.multi_reduction <add>, %mul3A_260, %reduce_sum3A_261 [1] : vector<1x128xf32> to vector<1xf32>
    %broadcast_in_dim3A_263 = vector.shape_cast %reduce_sum3A_262 : vector<1xf32> to vector<1x1xf32>
    %slice3A_264 = vector.extract_strided_slice %mul3A_93 {offsets = [3, 0], sizes = [1, 128], strides = [1, 1]} : vector<8x128xf32> to vector<1x128xf32>
    %mul3A_265 = arith.mulf %dot_general3A_258, %slice3A_264 : vector<1x128xf32>
    %reduce_sum3A_266 = arith.constant dense<0.000000e+00> : vector<1xf32>
    %reduce_sum3A_267 = vector.multi_reduction <add>, %mul3A_265, %reduce_sum3A_266 [1] : vector<1x128xf32> to vector<1xf32>
    %broadcast_in_dim3A_268 = vector.shape_cast %reduce_sum3A_267 : vector<1xf32> to vector<1x1xf32>
    %slice3A_269 = vector.extract_strided_slice %convert_element_type3A_207 {offsets = [4, 0], sizes = [1, 128], strides = [1, 1]} : vector<8x128xbf16> to vector<1x128xbf16>
    %slice3A_270 = vector.extract_strided_slice %convert_element_type3A_208 {offsets = [4, 0, 0], sizes = [1, 128, 128], strides = [1, 1, 1]} : vector<8x128x128xbf16> to vector<1x128x128xbf16>
    %squeeze3A_271 = vector.shape_cast %slice3A_270 : vector<1x128x128xbf16> to vector<128x128xbf16>
    %dot_general3A_272 = arith.constant dense<0.000000e+00> : vector<1x128xf32>
    %dot_general3A_273 = tpu.matmul %slice3A_269, %squeeze3A_271, %dot_general3A_272 {dimension_numbers = #tpu.dot_dimension_numbers<[1], [0], [0], [1], [0, 0, 1, 1], [], []>, transpose_lhs_hint = false} : vector<1x128xbf16>, vector<128x128xbf16>, vector<1x128xf32> -> vector<1x128xf32>
    %slice3A_274 = vector.extract_strided_slice %get3A_8 {offsets = [4, 0], sizes = [1, 128], strides = [1, 1]} : vector<8x128xf32> to vector<1x128xf32>
    %mul3A_275 = arith.mulf %dot_general3A_273, %slice3A_274 : vector<1x128xf32>
    %reduce_sum3A_276 = arith.constant dense<0.000000e+00> : vector<1xf32>
    %reduce_sum3A_277 = vector.multi_reduction <add>, %mul3A_275, %reduce_sum3A_276 [1] : vector<1x128xf32> to vector<1xf32>
    %broadcast_in_dim3A_278 = vector.shape_cast %reduce_sum3A_277 : vector<1xf32> to vector<1x1xf32>
    %slice3A_279 = vector.extract_strided_slice %mul3A_93 {offsets = [4, 0], sizes = [1, 128], strides = [1, 1]} : vector<8x128xf32> to vector<1x128xf32>
    %mul3A_280 = arith.mulf %dot_general3A_273, %slice3A_279 : vector<1x128xf32>
    %reduce_sum3A_281 = arith.constant dense<0.000000e+00> : vector<1xf32>
    %reduce_sum3A_282 = vector.multi_reduction <add>, %mul3A_280, %reduce_sum3A_281 [1] : vector<1x128xf32> to vector<1xf32>
    %broadcast_in_dim3A_283 = vector.shape_cast %reduce_sum3A_282 : vector<1xf32> to vector<1x1xf32>
    %slice3A_284 = vector.extract_strided_slice %convert_element_type3A_207 {offsets = [5, 0], sizes = [1, 128], strides = [1, 1]} : vector<8x128xbf16> to vector<1x128xbf16>
    %slice3A_285 = vector.extract_strided_slice %convert_element_type3A_208 {offsets = [5, 0, 0], sizes = [1, 128, 128], strides = [1, 1, 1]} : vector<8x128x128xbf16> to vector<1x128x128xbf16>
    %squeeze3A_286 = vector.shape_cast %slice3A_285 : vector<1x128x128xbf16> to vector<128x128xbf16>
    %dot_general3A_287 = arith.constant dense<0.000000e+00> : vector<1x128xf32>
    %dot_general3A_288 = tpu.matmul %slice3A_284, %squeeze3A_286, %dot_general3A_287 {dimension_numbers = #tpu.dot_dimension_numbers<[1], [0], [0], [1], [0, 0, 1, 1], [], []>, transpose_lhs_hint = false} : vector<1x128xbf16>, vector<128x128xbf16>, vector<1x128xf32> -> vector<1x128xf32>
    %slice3A_289 = vector.extract_strided_slice %get3A_8 {offsets = [5, 0], sizes = [1, 128], strides = [1, 1]} : vector<8x128xf32> to vector<1x128xf32>
    %mul3A_290 = arith.mulf %dot_general3A_288, %slice3A_289 : vector<1x128xf32>
    %reduce_sum3A_291 = arith.constant dense<0.000000e+00> : vector<1xf32>
    %reduce_sum3A_292 = vector.multi_reduction <add>, %mul3A_290, %reduce_sum3A_291 [1] : vector<1x128xf32> to vector<1xf32>
    %broadcast_in_dim3A_293 = vector.shape_cast %reduce_sum3A_292 : vector<1xf32> to vector<1x1xf32>
    %slice3A_294 = vector.extract_strided_slice %mul3A_93 {offsets = [5, 0], sizes = [1, 128], strides = [1, 1]} : vector<8x128xf32> to vector<1x128xf32>
    %mul3A_295 = arith.mulf %dot_general3A_288, %slice3A_294 : vector<1x128xf32>
    %reduce_sum3A_296 = arith.constant dense<0.000000e+00> : vector<1xf32>
    %reduce_sum3A_297 = vector.multi_reduction <add>, %mul3A_295, %reduce_sum3A_296 [1] : vector<1x128xf32> to vector<1xf32>
    %broadcast_in_dim3A_298 = vector.shape_cast %reduce_sum3A_297 : vector<1xf32> to vector<1x1xf32>
    %slice3A_299 = vector.extract_strided_slice %convert_element_type3A_207 {offsets = [6, 0], sizes = [1, 128], strides = [1, 1]} : vector<8x128xbf16> to vector<1x128xbf16>
    %slice3A_300 = vector.extract_strided_slice %convert_element_type3A_208 {offsets = [6, 0, 0], sizes = [1, 128, 128], strides = [1, 1, 1]} : vector<8x128x128xbf16> to vector<1x128x128xbf16>
    %squeeze3A_301 = vector.shape_cast %slice3A_300 : vector<1x128x128xbf16> to vector<128x128xbf16>
    %dot_general3A_302 = arith.constant dense<0.000000e+00> : vector<1x128xf32>
    %dot_general3A_303 = tpu.matmul %slice3A_299, %squeeze3A_301, %dot_general3A_302 {dimension_numbers = #tpu.dot_dimension_numbers<[1], [0], [0], [1], [0, 0, 1, 1], [], []>, transpose_lhs_hint = false} : vector<1x128xbf16>, vector<128x128xbf16>, vector<1x128xf32> -> vector<1x128xf32>
    %slice3A_304 = vector.extract_strided_slice %get3A_8 {offsets = [6, 0], sizes = [1, 128], strides = [1, 1]} : vector<8x128xf32> to vector<1x128xf32>
    %mul3A_305 = arith.mulf %dot_general3A_303, %slice3A_304 : vector<1x128xf32>
    %reduce_sum3A_306 = arith.constant dense<0.000000e+00> : vector<1xf32>
    %reduce_sum3A_307 = vector.multi_reduction <add>, %mul3A_305, %reduce_sum3A_306 [1] : vector<1x128xf32> to vector<1xf32>
    %broadcast_in_dim3A_308 = vector.shape_cast %reduce_sum3A_307 : vector<1xf32> to vector<1x1xf32>
    %slice3A_309 = vector.extract_strided_slice %mul3A_93 {offsets = [6, 0], sizes = [1, 128], strides = [1, 1]} : vector<8x128xf32> to vector<1x128xf32>
    %mul3A_310 = arith.mulf %dot_general3A_303, %slice3A_309 : vector<1x128xf32>
    %reduce_sum3A_311 = arith.constant dense<0.000000e+00> : vector<1xf32>
    %reduce_sum3A_312 = vector.multi_reduction <add>, %mul3A_310, %reduce_sum3A_311 [1] : vector<1x128xf32> to vector<1xf32>
    %broadcast_in_dim3A_313 = vector.shape_cast %reduce_sum3A_312 : vector<1xf32> to vector<1x1xf32>
    %slice3A_314 = vector.extract_strided_slice %convert_element_type3A_207 {offsets = [7, 0], sizes = [1, 128], strides = [1, 1]} : vector<8x128xbf16> to vector<1x128xbf16>
    %slice3A_315 = vector.extract_strided_slice %convert_element_type3A_208 {offsets = [7, 0, 0], sizes = [1, 128, 128], strides = [1, 1, 1]} : vector<8x128x128xbf16> to vector<1x128x128xbf16>
    %squeeze3A_316 = vector.shape_cast %slice3A_315 : vector<1x128x128xbf16> to vector<128x128xbf16>
    %dot_general3A_317 = arith.constant dense<0.000000e+00> : vector<1x128xf32>
    %dot_general3A_318 = tpu.matmul %slice3A_314, %squeeze3A_316, %dot_general3A_317 {dimension_numbers = #tpu.dot_dimension_numbers<[1], [0], [0], [1], [0, 0, 1, 1], [], []>, transpose_lhs_hint = false} : vector<1x128xbf16>, vector<128x128xbf16>, vector<1x128xf32> -> vector<1x128xf32>
    %slice3A_319 = vector.extract_strided_slice %get3A_8 {offsets = [7, 0], sizes = [1, 128], strides = [1, 1]} : vector<8x128xf32> to vector<1x128xf32>
    %mul3A_320 = arith.mulf %dot_general3A_318, %slice3A_319 : vector<1x128xf32>
    %reduce_sum3A_321 = arith.constant dense<0.000000e+00> : vector<1xf32>
    %reduce_sum3A_322 = vector.multi_reduction <add>, %mul3A_320, %reduce_sum3A_321 [1] : vector<1x128xf32> to vector<1xf32>
    %broadcast_in_dim3A_323 = vector.shape_cast %reduce_sum3A_322 : vector<1xf32> to vector<1x1xf32>
    %slice3A_324 = vector.extract_strided_slice %mul3A_93 {offsets = [7, 0], sizes = [1, 128], strides = [1, 1]} : vector<8x128xf32> to vector<1x128xf32>
    %mul3A_325 = arith.mulf %dot_general3A_318, %slice3A_324 : vector<1x128xf32>
    %reduce_sum3A_326 = arith.constant dense<0.000000e+00> : vector<1xf32>
    %reduce_sum3A_327 = vector.multi_reduction <add>, %mul3A_325, %reduce_sum3A_326 [1] : vector<1x128xf32> to vector<1xf32>
    %broadcast_in_dim3A_328 = vector.shape_cast %reduce_sum3A_327 : vector<1xf32> to vector<1x1xf32>
    %concatenate3A = tpu.concatenate %broadcast_in_dim3A_218, %broadcast_in_dim3A_233, %broadcast_in_dim3A_248, %broadcast_in_dim3A_263, %broadcast_in_dim3A_278, %broadcast_in_dim3A_293, %broadcast_in_dim3A_308, %broadcast_in_dim3A_323 in 0 : vector<1x1xf32>, vector<1x1xf32>, vector<1x1xf32>, vector<1x1xf32>, vector<1x1xf32>, vector<1x1xf32>, vector<1x1xf32>, vector<1x1xf32> -> vector<8x1xf32>
    %concatenate3A_329 = tpu.concatenate %broadcast_in_dim3A_223, %broadcast_in_dim3A_238, %broadcast_in_dim3A_253, %broadcast_in_dim3A_268, %broadcast_in_dim3A_283, %broadcast_in_dim3A_298, %broadcast_in_dim3A_313, %broadcast_in_dim3A_328 in 0 : vector<1x1xf32>, vector<1x1xf32>, vector<1x1xf32>, vector<1x1xf32>, vector<1x1xf32>, vector<1x1xf32>, vector<1x1xf32>, vector<1x1xf32> -> vector<8x1xf32>
    %iota3A_330 = tpu.iota {dimensions = array<i32: 1>} : vector<8x128xi32>
    %eq3A = arith.constant 0 : i32
    %eq3A_331 = vector.broadcast %eq3A : i32 to vector<8x128xi32>
    %eq3A_332 = arith.cmpi eq, %iota3A_330, %eq3A_331 : vector<8x128xi32>
    %eq3A_333 = arith.constant 1 : i32
    %eq3A_334 = vector.broadcast %eq3A_333 : i32 to vector<8x128xi32>
    %eq3A_335 = arith.cmpi eq, %iota3A_330, %eq3A_334 : vector<8x128xi32>
    %jit3A = arith.constant 0.000000e+00 : f32
    %broadcast_in_dim3A_336 = vector.shape_cast %concatenate3A_329 : vector<8x1xf32> to vector<8x1xf32>
    %broadcast_in_dim3A_337 = vector.broadcast %broadcast_in_dim3A_336 : vector<8x1xf32> to vector<8x128xf32>
    %broadcast_in_dim3A_338 = vector.broadcast %jit3A : f32 to vector<8x128xf32>
    %select_n3A = arith.select %eq3A_335, %broadcast_in_dim3A_337, %broadcast_in_dim3A_338 : vector<8x128xi1>, vector<8x128xf32>
    %broadcast_in_dim3A_339 = vector.shape_cast %concatenate3A : vector<8x1xf32> to vector<8x1xf32>
    %broadcast_in_dim3A_340 = vector.broadcast %broadcast_in_dim3A_339 : vector<8x1xf32> to vector<8x128xf32>
    %select_n3A_341 = arith.select %eq3A_332, %broadcast_in_dim3A_340, %select_n3A : vector<8x128xi1>, vector<8x128xf32>
    %swap3A = arith.constant 0 : index
    %swap3A_342 = arith.constant 0 : index
    %swap3A_343 = vector.load %arg5[%swap3A, %swap3A_342] : memref<8x128xf32, #tpu.memory_space<vmem>>, vector<8x128xf32>
    tpu.vector_store %arg5[%swap3A, %swap3A_342], %select_n3A_341 {strides = array<i32>} : memref<8x128xf32, #tpu.memory_space<vmem>>, vector<8x128xf32>,
    return
  }
  func.func @transform_0(%arg0: i32) -> (i32, i32) {
    %c0_i32 = arith.constant 0 : i32
    %c0_i32_0 = arith.constant 0 : i32
    return %arg0, %c0_i32 : i32, i32
  }
  func.func @transform_1(%arg0: i32) -> (i32, i32, i32) {
    %c0_i32 = arith.constant 0 : i32
    %c0_i32_0 = arith.constant 0 : i32
    %c0_i32_1 = arith.constant 0 : i32
    return %arg0, %c0_i32, %c0_i32_0 : i32, i32, i32
  }
  func.func @transform_2(%arg0: i32) -> (i32, i32) {
    %c0_i32 = arith.constant 0 : i32
    %c0_i32_0 = arith.constant 0 : i32
    return %arg0, %c0_i32 : i32, i32
  }
  func.func @transform_3(%arg0: i32) -> (i32, i32) {
    %c0_i32 = arith.constant 0 : i32
    %c0_i32_0 = arith.constant 0 : i32
    return %arg0, %c0_i32 : i32, i32
  }
  func.func @transform_4(%arg0: i32) -> (i32, i32) {
    %c0_i32 = arith.constant 0 : i32
    %c0_i32_0 = arith.constant 0 : i32
    return %arg0, %c0_i32 : i32, i32
  }
}

</mosaic_0001>

<sc_bundles>
// kernel: gather_offload_async_start.1
scs
__scs_entry_jumppad:
0x0: {  	(pc) =	sbr.rel $0x88, $3  }
0x1: {  	(tag) =	ssettag $0x0;
	lr =	simm.s32 $0x1  }
0x2: {  	[smem:$0x3F9B] =	sst lr;
	_ =	strace $0xD0000000  }
0x3: {  	_ = 	snop  }
0x4: {  	_ = 	snop  }
0x5: {  	_ = 	snop  }
0x6: {  	_ = 	snop  }
0x7: {  	_ = 	snop  }
__scs_overlays_trampoline_lowered:
0x8: {  	[smem:$0x3FAA] =	sst s0  }
0x9: {  	[smem:$0x3FAB] =	sst s1  }
0xa: {  	[smem:$0x3FAC] =	sst s2  }
0xb: {  	[smem:$0x3FAD] =	sst s3  }
0xc: {  	[smem:$0x3FAE] =	sst s4  }
0xd: {  	[smem:$0x3FAF] =	sst s5  }
0xe: {  	[smem:$0x3FB0] =	sst s6  }
0xf: {  	[smem:$0x3FB1] =	sst s7  }
0x10: {  	[smem:$0x3FB2] =	sst s8  }
0x11: {  	[smem:$0x3FB3] =	sst s9;
	s0 =	simm.s32 @!p0 $0x0  }
0x12: {  	s1 =	sld [smem:$0x3F99];
	s0 =	simm.s32 @p0 $0x1  }
0x13: {  	[smem:$0x3FB4] =	sst s0;
	s0 =	simm.s32 @!p1 $0x0  }
0x14: {  	s2 =	sld [smem:$0x3F98];
	s0 =	simm.s32 @p1 $0x1  }
0x15: {  	[smem:$0x3FB5] =	sst s0;
	s0 =	simm.s32 @!p2 $0x0  }
0x16: {  	s3 =	sld [smem:$0x3FDB];
	s0 =	simm.s32 @p2 $0x1  }
0x17: {  	s4 =	simm.s32 $0x1BF5;
	[smem:$0x3FB7] =	sst s0  }
0x18: {  	s0 =	sld [smem:$0x3F9A];
	_ =	swait.ge [sflag:s4], $0x0  }
0x19: {  	s7 =	sld [smem:$0x3F9B]  }
0x1a: {  	s8 =	sadd.s32 $0xFFFFE003, lr  }
0x1b: {  	s9 =	sadd.s32 $0xFFFFFEF7, lr;
	s5 =	simm.s32 $0xFFFFFFFF;
	p2 =	slt.u32 s8, $0xFFFFF086  }
0x1c: {  	p1 =	slt.u32 s9, $0xF7A;
	s5 =	simm.s32 @!p2 $0x0  }
0x1d: {  	s5 =	simm.s32 @p1 $0x1;
	p0 =	seq.s32 s7, s2  }
0x1e: {  	s7 =	smul.u32 @!p0 $0xF7A, s2;
	p2 =	seq.s32 @!p0 s5, $0x0  }
0x1f: {  	s9 =	smul.u32 $0xF7A, s1;
	s8 =	simm.s32 @!p0 $0x1BF5;
	p2 =	por !p2, p0  }
0x20: {  	[sflag:s8] =	ssyncset.s32 @!p0 $0xFFFFF086;
	s6 =	sadd.s32 @!p0 s3, s7;
	s7 =	simm.s32 @!p0 $0x108  }
0x21: {  	s3 =	sadd.s32 s3, s9;
	s6 =	sadd.s32 @!p0 $0x88, s6;
	s7 =	simm.s32 @p2 $0x1082  }
0x22: {  	[simem:s7], [sflag:s8] =	dma.local @!p0 [hbm:s6], $0xF7A  }
0x23: {  	s9 =	sor.u32 $0xD0000000, s2;
	s6 =	simm.s32 $0x108;
	_ =	swait.ge @!p0 [sflag:s8], $0x0  }
0x24: {  	s3 =	sadd.s32 $0x88, s3;
	s6 =	simm.s32 @!p1 $0x1082;
	[sflag:s4] =	ssyncset.s32 $0xFFFFF086  }
0x25: {  	[simem:s6], [sflag:s4] =	dma.local [hbm:s3], $0xF7A  }
0x26: {  	[smem:$0x3F9B] =	sst s1;
	(tag) =	ssettag s2;
	_ =	strace s9  }
0x27: {  	s1 =	sld [smem:$0x3FAB]  }
0x28: {  	s2 =	sld [smem:$0x3FAC]  }
0x29: {  	s4 =	sld [smem:$0x3FAE]  }
0x2a: {  	p0 =	seq.s32 s5, $0x0;
	s5 =	sld [smem:$0x3FAF]  }
0x2b: {  	s6 =	sld [smem:$0x3FB0]  }
0x2c: {  	s7 =	sld [smem:$0x3FB1]  }
0x2d: {  	s3 =	simm.s32 $0x108;
	s8 =	sld [smem:$0x3FB2]  }
0x2e: {  	s3 =	simm.s32 @!p0 $0x1082;
	s9 =	sld [smem:$0x3FB3]  }
0x2f: {  	lr =	sadd.s32 s0, s3;
	s0 =	sld [smem:$0x3FAA]  }
0x30: {  	s3 =	sld [smem:$0x3FAD]  }
0x31: {  	[smem:$0x3FB6] =	sst s10  }
0x32: {  	s10 =	sld [smem:$0x3FB4];
	_ =	sdelay $0x3  }
0x33: {  	p0 =	seq.s32 s10, $0x1;
	s10 =	sld [smem:$0x3FB6];
	_ =	sdelay $0x3  }
0x34: {  	[smem:$0x3FB6] =	sst s10  }
0x35: {  	s10 =	sld [smem:$0x3FB5];
	_ =	sdelay $0x3  }
0x36: {  	p1 =	seq.s32 s10, $0x1;
	s10 =	sld [smem:$0x3FB6];
	_ =	sdelay $0x3  }
0x37: {  	[smem:$0x3FB6] =	sst s10  }
0x38: {  	s10 =	sld [smem:$0x3FB7]  }
0x39: {  	_ = 	snop;
	(pc) =	sbr.ind lr, $3  }
0x3a: {  	_ = 	snop  }
0x3b: {  	_ = 	snop  }
0x3c: {  	p2 =	seq.s32 s10, $0x1;
	s10 =	sld [smem:$0x3FB6]  }
0x3d: {  	_ =	shalt  }
0x3e: {  	_ =	shalt  }
0x3f: {  	_ =	shalt  }
0x40: {  	_ =	shalt  }
0x41: {  	_ =	shalt  }
0x42: {  	_ =	shalt  }
0x43: {  	_ =	shalt  }
0x44: {  	_ =	shalt  }
0x45: {  	_ =	shalt  }
0x46: {  	_ =	shalt  }
0x47: {  	_ =	shalt  }
0x48: {  	_ =	shalt  }
0x49: {  	_ =	shalt  }
0x4a: {  	_ =	shalt  }
0x4b: {  	_ =	shalt  }
0x4c: {  	_ =	shalt  }
0x4d: {  	_ =	shalt  }
0x4e: {  	_ =	shalt  }
0x4f: {  	_ =	shalt  }
0x50: {  	_ =	shalt  }
0x51: {  	_ =	shalt  }
0x52: {  	_ =	shalt  }
0x53: {  	_ =	shalt  }
0x54: {  	_ =	shalt  }
0x55: {  	_ =	shalt  }
0x56: {  	_ =	shalt  }
0x57: {  	_ =	shalt  }
0x58: {  	_ =	shalt  }
0x59: {  	_ =	shalt  }
0x5a: {  	_ =	shalt  }
0x5b: {  	_ =	shalt  }
0x5c: {  	_ =	shalt  }
0x5d: {  	_ =	shalt  }
0x5e: {  	_ =	shalt  }
0x5f: {  	_ =	shalt  }
0x60: {  	_ =	shalt  }
0x61: {  	_ =	shalt  }
0x62: {  	_ =	shalt  }
0x63: {  	_ =	shalt  }
0x64: {  	_ =	shalt  }
0x65: {  	_ =	shalt  }
0x66: {  	_ =	shalt  }
0x67: {  	_ =	shalt  }
0x68: {  	_ =	shalt  }
0x69: {  	_ =	shalt  }
0x6a: {  	_ =	shalt  }
0x6b: {  	_ =	shalt  }
0x6c: {  	_ =	shalt  }
0x6d: {  	_ =	shalt  }
0x6e: {  	_ =	shalt  }
0x6f: {  	_ =	shalt  }
0x70: {  	_ =	shalt  }
0x71: {  	_ =	shalt  }
0x72: {  	_ =	shalt  }
0x73: {  	_ =	shalt  }
0x74: {  	_ =	shalt  }
0x75: {  	_ =	shalt  }
0x76: {  	_ =	shalt  }
0x77: {  	_ =	shalt  }
0x78: {  	_ =	shalt  }
0x79: {  	_ =	shalt  }
0x7a: {  	_ =	shalt  }
0x7b: {  	_ =	shalt  }
0x7c: {  	_ =	shalt  }
0x7d: {  	_ =	shalt  }
0x7e: {  	_ =	shalt  }
0x7f: {  	_ =	shalt  }
0x80: {  	_ =	shalt  }
0x81: {  	_ =	shalt  }
0x82: {  	_ =	shalt  }
0x83: {  	_ =	shalt  }
0x84: {  	_ =	shalt  }
0x85: {  	_ =	shalt  }
0x86: {  	_ =	shalt  }
0x87: {  	_ =	shalt  }
.Lfunc_end0:
.L_simem_size_0:
called_computation.2_lowered:
.L_overlay_start_0:
0x88: {  	s2 =	sld [smem:$0x3FD9]  }
0x89: {  	s3 =	sld [smem:$0x3FFE];
	_ =	sdelay $0x1  }
0x8a: {  	s1 =	srdreg.scid  }
0x8b: {  	s0 =	sand.u32 $0x1, s1  }
0x8c: {  	s16 =	sshll.u32 s0, $0xA;
	s2 =	sadd.s32 s3, s2  }
0x8d: {  	s2 =	sadd.s32 s2, s16  }
0x8e: {  	[smem:$0x3FC2] =	sst s2  }
0x8f: {  	_ = 	snop  }
0x90: {  	(tm) =	ssettm $0x1  }
0x91: {  	s17 =	sld [smem:$0x3FFB];
	_ =	sdelay $0x3  }
0x92: {  	_ =	strace s17  }
0x93: {  	s2 =	sld [smem:$0x3FFC];
	_ =	sdelay $0x3  }
0x94: {  	_ =	strace s2  }
0x95: {  	s2 =	sld [smem:$0x3FFD];
	_ =	sdelay $0x3  }
0x96: {  	_ =	strace s2  }
0x97: {  	_ =	strace $0x8FFFFFFF  }
0x98: {  	s18 =	sld [smem:$0x3FDB];
	_ =	sdelay $0x1  }
0x99: {  	s19 =	simm.s32 $_scs_section_size  }
0x9a: {  	s4 =	simm.s32 $_size__tile_overlayer_lowered;
	s5 =	simm.s32 $_tile_overlayer_lowered  }
0x9b: {  	s22 =	simm.s32 $0x1BFF;
	s21 =	sshll.u32 s5, $0x1;
	s2 =	sadd.s32 s19, s18  }
0x9c: {  	s6 =	simm.s32 $0x0;
	s20 =	sshll.u32 s4, $0x1;
	s4 =	sadd.s32 s21, s2  }
0x9d: {  	[timem:s6], [sflag:s22] =	dma.local [hbm:s4], s20  }
0x9e: {  	_ =	swait.ge [sflag:s22], s20  }
0x9f: {  	s3 =	ssub.s32 $0x0, s20;
	[sflag:s22] =	ssyncset.done $0x0  }
0xa0: {  	[sflag:s22] =	ssyncadd.s32 s3;
	_ =	sdelay $0x1  }
0xa1: {  	s23 =	simm.s32 $0x1B8B  }
0xa2: {  	_ =	swait.ge [sflag:s23], $0x1  }
0xa3: {  	[sflag:s23] =	ssyncset.done $0x0  }
0xa4: {  	s25 =	simm.s32 $0x1B8E;
	s24 =	sld [smem:$0x3FFE];
	[sflag:s23] =	ssyncadd.s32 $0xFFFFFFFF  }
0xa5: {  	s26 =	simm.s32 $execute0_lowered;
	[smem:$0x3FD2] =	sst s25  }
0xa6: {  	s4 =	sshll.u32 s26, $0x1;
	_ =	strace $0x80000049;
	[dreg:$0x1] =	wrdreg $0xFFFFFFFF  }
0xa7: {  	s28 =	simm.s32 $_size_execute0_lowered;
	s2 =	sadd.s32 s2, s4;
	[dreg:$0x0] =	wrdreg $0x0  }
0xa8: {  	s4 =	sshll.u32 s28, $0x1;
	[dreg:$0x2] =	wrdreg s2  }
0xa9: {  	[dreg:$0x3] =	wrdreg s4  }
0xaa: {  	[dreg:$0x4] =	wrdreg $0xC0  }
0xab: {  	_ =	task [dreg:s6], $0x5FFFF  }
0xac: {  	[dreg:$0x1] =	wrdreg $0xFFFFFFFF  }
0xad: {  	[dreg:$0x0] =	wrdreg $0x60  }
0xae: {  	[dreg:$0x2] =	wrdreg s24  }
0xaf: {  	[dreg:$0x3] =	wrdreg $0xA  }
0xb0: {  	_ =	task.clear_ibuf [dreg:s6], $0x4FFFF;
	_ =	strace $0x90000049  }
0xb1: {  	s29 =	simm.s32 $0xA;
	_ =	strace $0x8000004B  }
0xb2: {  	_ =	swait.ge [sflag:s29], $0x1  }
0xb3: {  	[sflag:s29] =	ssyncadd.s32 $0xFFFFFFFF  }
0xb4: {  	_ =	strace $0x9000004B  }
0xb5: {  	_ =	sfence  }
0xb6: {  	s30 =	sld [smem:$0x0];
	_ =	sdelay $0x2  }
0xb7: {  	s31 =	sshll.u32 s1, $0xD;
	s1 =	sshrl.u32 s1, $0x2  }
0xb8: {  	s3 =	sand.u32 $0x4000, s31;
	s1 =	sadd.s32 s1, s30  }
0xb9: {  	s0 =	sor.u32 s3, s0;
	s1 =	sshll.u32 s1, $0x11  }
0xba: {  	s0 =	sor.u32 s1, s0  }
0xbb: {  	s0 =	sadd.s32 $0x8F2B, s0  }
0xbc: {  	[sflag:s0] =	ssyncadd.remote.s32 $0x1  }
0xbd: {  	_ =	sfence.sel $0xFFFF  }
0xbe: {  	[dreg:$0x0] =	wrdreg $0xFFFFFFFF;
	(pc) =	sbr.abs _section_cstart, $3  }
0xbf: {  	[dreg:$0x1] =	wrdreg $0xFFFFFFFF  }
0xc0: {  	_ =	task.clear_ibuf [dreg:s6], $0x2FFFF;
	_ =	strace $0x9FFFFFFF  }
0xc1: {  	(tm) =	ssettm $0x7FFFFFFF  }
tec
execute0_lowered:
.L_overlay_start_1:
0x0: {  	(tag) =	ssettag $0x1  }
0x1: {  	s0 =	srdreg.scid;
	s5 =	rddreg [dreg:$0x0]  }
0x2: {  	s1 =	stileid.u32;
	s6 =	simm.s32 $0x1;
	s9 =	simm.s32 $0x1  }
0x3: {  	s10 =	simm.s32 $0x3;
	s13 =	simm.s32 $0x0;
	s2 =	sshll.u32 s0, $0xB  }
0x4: {  	s12 =	simm.s32 $0x0;
	s3 =	sshll.u32 s1, $0xC;
	s4 =	sand.u32 $0x800, s2  }
0x5: {  	s0 =	rddreg [dreg:$0x1];
	_ =	strace $0x8000004A;
	s3 =	sor.u32 s3, s4  }
0x6: {  	s2 =	sadd.s32 $0x186A00, s5;
	[sflag:s6] =	ssyncpa.u1 $0x0;
	s8 =	ssub.s32 $0x20000, s3  }
.Ltmp0:
0x7: {  	s4 =	sadd.s32 $0x189C00, s5;
	s7 =	sand.u32 $0xF800, s8;
	(pc) =	sbr.rel .LBB2_1-.Ltmp0, $4  }
0x8: {  	s5 =	sadd.s32 $0x18DC00, s5;
	s11 =	smov.u32 s3;
	p0 =	sne.s32 s7, $0x0  }
0x9: {  	s8 =	sshrl.u32 s8, $0x10;
	s7 =	simm.s32 $0x2;
	s9 =	simm.s32 @!p0 $0x0  }
0xa: {  	[sflag:s7] =	ssyncpa.u1 $0x0;
	p0 =	por $0x0, $0x0;
	s8 =	sadd.s32 s9, s8  }
0xb: {  	vm0 =	vmmov $0xffff;
	[sflag:s10] =	ssyncpa.u1 $0x0;
	s10 =	simm.s32 $0x0;
	s9 =	sadd.s32 $0x1, s8  }
.LBB2_4:
0xc: {  	v2 =	vnsel vm1, $0x0, v2  }
0xd: {  	vm1 =	vgt.s32 v0, $0x0;
	v2 =	vmin.u32 v2, $0x1869F  }
0xe: {  	v0 =	vnsel vm1, $0x0, v0  }
0xf: {  	v0 =	vmin.u32 v0, $0x1869F  }
0x10: {  	[tilespmem:s15], [sflag:$0x1] =	stream.indirect_vreg.gather [hbm4b:s2+s10], $0x1, v1, vm0, $0x4038;
	[tilespmem:$0x2000] =	vst v63  }
0x11: {  	(ifvalue) =	ssetifvalue $0x7FFFFFFF  }
0x12: {  	[tilespmem:s16], [sflag:$0x1] =	stream.indirect_vreg.gather [hbm4b:s2+s10], $0x1, v2, vm0, $0x4038;
	[tilespmem:$0x2000] =	vst v63  }
0x13: {  	s29 =	sadd.s32 $0x10, s16;
	(ifvalue) =	ssetifvalue $0x7FFFFFFF  }
0x14: {  	[tilespmem:s29], [sflag:$0x1] =	stream.indirect_vreg.gather [hbm4b:s2+s10], $0x1, v0, vm0, $0x4038;
	[tilespmem:$0x2000] =	vst v63  }
0x15: {  	_ =	swait.ge [sflag:s6], $0x800  }
0x16: {  	s30 =	sshrl.u32 s13, $0x3;
	[sflag:s6] =	ssyncset.done $0x0  }
0x17: {  	s31 =	sand.u32 $0x7, s13;
	s15 =	sadd.s32 s5, s30;
	[sflag:s6] =	ssyncadd.s32 $0xFFFFF800  }
0x18: {  	[hbm4b:s15+s31] =	stream.linear.scatter [tilespmem:s14], [sflag:$0x3], $0x800, $0x38;
	[tilespmem:$0x2000] =	vst v63  }
.LBB2_5:
0x19: {  	s15 =	sadd.s32 $0x10000, s11  }
0x1a: {  	p2 =	sgt.s32 s15, $0x1FFFF  }
0x1b: {  	s15 =	smov.u32 @p2 s3;
	p2 =	sne.s32 s12, s9  }
.Ltmp1:
0x1c: {  	p1 =	slt.u32 s12, $0x2;
	(pc) =	sbr.rel @!p2 .LBB2_6-.Ltmp1, $4  }
0x1d: {  	s14 =	simm.s32 @!p1 $0x3  }
0x1e: {  	s16 =	sadd.s32 $0x1, s12;
	_ =	swait.ge @!p1 [sflag:s14], $0x800  }
0x1f: {  	s13 =	smov.u32 s11;
	p0 =	por !p0, !p0;
	[sflag:s14] =	ssyncset.done @!p1 $0x0  }
0x20: {  	s12 =	smov.u32 s16;
	s11 =	smov.u32 s15;
	[sflag:s14] =	ssyncadd.s32 @!p1 $0xFFFFF800  }
.LBB2_1:
0x21: {  	p1 =	sge.u32 s12, s8  }
0x22: {  	s14 =	sxor.u32 @!p1 $0xFFFFFFFF, s12  }
0x23: {  	s31 =	sadd.s32 $0xFFFFFFFF, s12;
	s15 =	sshrl.u32 @!p1 s11, $0x3;
	s14 =	sshll.u32 @!p1 s14, $0xB  }
0x24: {  	s16 =	sand.u32 @!p1 $0x7, s11;
	s15 =	sadd.s32 @!p1 s4, s15;
	s14 =	sand.u32 @!p1 $0x800, s14  }
0x25: {  	[tilespmem:s14], [sflag:$0x2] =	stream.linear.gather @!p1 [hbm4b:s15+s16], $0x800, $0x38;
	[tilespmem:$0x2000] =	vst v63  }
0x26: {  	p1 =	sge.u32 s31, s8  }
.Ltmp2:
0x27: {  	_ = 	snop;
	(pc) =	sbr.rel @p1 .LBB2_5-.Ltmp2, $1  }
0x28: {  	_ =	sdelay $0x3  }
0x29: {  	s14 =	simm.s32 $0x1  }
0x2a: {  	_ =	swait.ge [sflag:s7], $0x800;
	s14 =	simm.s32 @!p0 $0x0  }
0x2b: {  	[sflag:s7] =	ssyncset.done $0x0;
	s14 =	sshll.u32 s14, $0xB  }
0x2c: {  	[sflag:s7] =	ssyncadd.s32 $0xFFFFF800;
	(ifvalue) =	ssetifvalue $0x7FFFFFFF;
	v0 =	vld.msk [tilespmem:s14+$0x0 ss:$0x1], $0xffff;
	_ =	sdelay $0x4  }
0x2d: {  	s15 =	sadd.s32 $0x10, s14;
	vm1 =	vgt.s32 v0, $0x0  }
0x2e: {  	v2 =	vld.msk [tilespmem:s15+$0x0 ss:$0x1], $0xffff;
	v1 =	vnsel vm1, $0x0, v0  }
0x2f: {  	v1 =	vmin.u32 v1, $0x1869F;
	_ =	sdelay $0x1  }
0x30: {  	s16 =	sshll.u32 s12, $0xB;
	s18 =	simm.s32 $0x20  }
0x31: {  	s16 =	sand.u32 $0x800, s16;
	s17 =	sadd.s32 $0x10, s15;
	s15 =	sor.u32 $0x1000, s14  }
0x32: {  	s14 =	sor.u32 $0x1000, s16;
	s16 =	sadd.s32 $0x10, s15;
	v0 =	vld.msk [tilespmem:s17+$0x0 ss:$0x1], $0xffff;
	vm1 =	vgt.s32 v2, $0x0;
	(ifvalue) =	ssetifvalue $0x7FFFFFFF  }
.LBB2_3:
0x33: {  	[tilespmem:s15], [sflag:$0x1] =	stream.indirect_vreg.gather [hbm4b:s2+s10], $0x1, v1, vm0, $0x4038;
	[tilespmem:$0x2000] =	vst v63  }
0x34: {  	s18 =	sadd.s32 $0x10, s18  }
0x35: {  	v2 =	vnsel vm1, $0x0, v2;
	p1 =	slt.u32 s18, $0x7F0  }
.Ltmp3:
0x36: {  	s15 =	smov.u32 s16;
	v1 =	vmin.u32 v2, $0x1869F;
	(pc) =	sbr.rel @p1 .LBB2_3-.Ltmp3, $3  }
0x37: {  	_ =	sdelay $0x1  }
0x38: {  	s17 =	sadd.s32 $0x10, s17  }
0x39: {  	vm1 =	vgt.s32 v0, $0x0;
	s16 =	sadd.s32 $0x10, s16;
	v2 =	vmov v0;
	(ifvalue) =	ssetifvalue $0x7FFFFFFF;
	v0 =	vld.msk [tilespmem:s17+$0x0 ss:$0x1], $0xffff  }
.Ltmp4:
0x3a: {  	_ = 	snop;
	(pc) =	sbr.rel .LBB2_4-.Ltmp4, $1  }
0x3b: {  	_ =	sdelay $0x3  }
.LBB2_6:
0x3c: {  	_ =	sfence.sel $0x180000  }
0x3d: {  	s2 =	simm.s32 $0x2;
	[bflag:$0x0] =	sbarrier.arrive $0xFFFF  }
0x3e: {  	s30 =	simm.s32 $0x3;
	[sflag:s2] =	ssyncpa.u1 $0x1  }
0x3f: {  	s31 =	simm.s32 $0x1;
	[sflag:s30] =	ssyncpa.u1 $0x1  }
0x40: {  	[sflag:s31] =	ssyncpa.u1 $0x1  }
0x41: {  	p0 =	sne.s32 s1, $0x0;
	_ =	strace $0x9000004A  }
0x42: {  	s0 =	sadd.s32 @!p0 $0x100000, s0;
	[bflag:$0x2] =	sbarrier.arrive $0xFFFF  }
0x43: {  	[sflag:s0] =	ssyncadd.tile.s32 @!p0 $0x1;
	_ =	shalt  }
.Lfunc_end2:
_tile_overlayer_lowered:
.L_overlay_start_2:
0x44: {  	(tag) =	ssettag $0x2  }
0x45: {  	s0 =	rddreg [dreg:$0x0];
	s2 =	stileid.u32  }
0x46: {  	s1 =	rddreg [dreg:$0x1];
	p0 =	sne.s32 s2, $0x0  }
0x47: {  	s3 =	rddreg [dreg:$0x2];
	[bflag:$0x3] =	sbarrier.arrive $0xFFFF;
	s2 =	simm.s32 @!p0 $0x1C01  }
0x48: {  	[timem:s3], [sflag:s2] =	dma.local @!p0 [hbm:s0], s1  }
0x49: {  	s0 =	simm.s32 @!p0 $0x1  }
0x4a: {  	_ =	swait.ge @!p0 [sflag:s0], s1  }
0x4b: {  	s1 =	ssub.s32 @!p0 $0x0, s1;
	[sflag:s0] =	ssyncset.done @!p0 $0x0  }
0x4c: {  	[sflag:s0] =	ssyncadd.s32 @!p0 s1  }
0x4d: {  	[bflag:$0x3] =	sbarrier.arrive $0xFFFF  }
0x4e: {  	_ =	shalt  }

// kernel: gather_offload_async_start
scs
__scs_entry_jumppad:
0x0: {  	(pc) =	sbr.rel $0x88, $3  }
0x1: {  	(tag) =	ssettag $0x0;
	lr =	simm.s32 $0x1  }
0x2: {  	[smem:$0x3F9B] =	sst lr;
	_ =	strace $0xD0000000  }
0x3: {  	_ = 	snop  }
0x4: {  	_ = 	snop  }
0x5: {  	_ = 	snop  }
0x6: {  	_ = 	snop  }
0x7: {  	_ = 	snop  }
__scs_overlays_trampoline_lowered:
0x8: {  	[smem:$0x3FAA] =	sst s0  }
0x9: {  	[smem:$0x3FAB] =	sst s1  }
0xa: {  	[smem:$0x3FAC] =	sst s2  }
0xb: {  	[smem:$0x3FAD] =	sst s3  }
0xc: {  	[smem:$0x3FAE] =	sst s4  }
0xd: {  	[smem:$0x3FAF] =	sst s5  }
0xe: {  	[smem:$0x3FB0] =	sst s6  }
0xf: {  	[smem:$0x3FB1] =	sst s7  }
0x10: {  	[smem:$0x3FB2] =	sst s8  }
0x11: {  	[smem:$0x3FB3] =	sst s9;
	s0 =	simm.s32 @!p0 $0x0  }
0x12: {  	s1 =	sld [smem:$0x3F99];
	s0 =	simm.s32 @p0 $0x1  }
0x13: {  	[smem:$0x3FB4] =	sst s0;
	s0 =	simm.s32 @!p1 $0x0  }
0x14: {  	s2 =	sld [smem:$0x3F98];
	s0 =	simm.s32 @p1 $0x1  }
0x15: {  	[smem:$0x3FB5] =	sst s0;
	s0 =	simm.s32 @!p2 $0x0  }
0x16: {  	s3 =	sld [smem:$0x3FDB];
	s0 =	simm.s32 @p2 $0x1  }
0x17: {  	s4 =	simm.s32 $0x1BF5;
	[smem:$0x3FB7] =	sst s0  }
0x18: {  	s0 =	sld [smem:$0x3F9A];
	_ =	swait.ge [sflag:s4], $0x0  }
0x19: {  	s7 =	sld [smem:$0x3F9B]  }
0x1a: {  	s8 =	sadd.s32 $0xFFFFE003, lr  }
0x1b: {  	s9 =	sadd.s32 $0xFFFFFEF7, lr;
	s5 =	simm.s32 $0xFFFFFFFF;
	p2 =	slt.u32 s8, $0xFFFFF086  }
0x1c: {  	p1 =	slt.u32 s9, $0xF7A;
	s5 =	simm.s32 @!p2 $0x0  }
0x1d: {  	s5 =	simm.s32 @p1 $0x1;
	p0 =	seq.s32 s7, s2  }
0x1e: {  	s7 =	smul.u32 @!p0 $0xF7A, s2;
	p2 =	seq.s32 @!p0 s5, $0x0  }
0x1f: {  	s9 =	smul.u32 $0xF7A, s1;
	s8 =	simm.s32 @!p0 $0x1BF5;
	p2 =	por !p2, p0  }
0x20: {  	[sflag:s8] =	ssyncset.s32 @!p0 $0xFFFFF086;
	s6 =	sadd.s32 @!p0 s3, s7;
	s7 =	simm.s32 @!p0 $0x108  }
0x21: {  	s3 =	sadd.s32 s3, s9;
	s6 =	sadd.s32 @!p0 $0x88, s6;
	s7 =	simm.s32 @p2 $0x1082  }
0x22: {  	[simem:s7], [sflag:s8] =	dma.local @!p0 [hbm:s6], $0xF7A  }
0x23: {  	s9 =	sor.u32 $0xD0000000, s2;
	s6 =	simm.s32 $0x108;
	_ =	swait.ge @!p0 [sflag:s8], $0x0  }
0x24: {  	s3 =	sadd.s32 $0x88, s3;
	s6 =	simm.s32 @!p1 $0x1082;
	[sflag:s4] =	ssyncset.s32 $0xFFFFF086  }
0x25: {  	[simem:s6], [sflag:s4] =	dma.local [hbm:s3], $0xF7A  }
0x26: {  	[smem:$0x3F9B] =	sst s1;
	(tag) =	ssettag s2;
	_ =	strace s9  }
0x27: {  	s1 =	sld [smem:$0x3FAB]  }
0x28: {  	s2 =	sld [smem:$0x3FAC]  }
0x29: {  	s4 =	sld [smem:$0x3FAE]  }
0x2a: {  	p0 =	seq.s32 s5, $0x0;
	s5 =	sld [smem:$0x3FAF]  }
0x2b: {  	s6 =	sld [smem:$0x3FB0]  }
0x2c: {  	s7 =	sld [smem:$0x3FB1]  }
0x2d: {  	s3 =	simm.s32 $0x108;
	s8 =	sld [smem:$0x3FB2]  }
0x2e: {  	s3 =	simm.s32 @!p0 $0x1082;
	s9 =	sld [smem:$0x3FB3]  }
0x2f: {  	lr =	sadd.s32 s0, s3;
	s0 =	sld [smem:$0x3FAA]  }
0x30: {  	s3 =	sld [smem:$0x3FAD]  }
0x31: {  	[smem:$0x3FB6] =	sst s10  }
0x32: {  	s10 =	sld [smem:$0x3FB4];
	_ =	sdelay $0x3  }
0x33: {  	p0 =	seq.s32 s10, $0x1;
	s10 =	sld [smem:$0x3FB6];
	_ =	sdelay $0x3  }
0x34: {  	[smem:$0x3FB6] =	sst s10  }
0x35: {  	s10 =	sld [smem:$0x3FB5];
	_ =	sdelay $0x3  }
0x36: {  	p1 =	seq.s32 s10, $0x1;
	s10 =	sld [smem:$0x3FB6];
	_ =	sdelay $0x3  }
0x37: {  	[smem:$0x3FB6] =	sst s10  }
0x38: {  	s10 =	sld [smem:$0x3FB7]  }
0x39: {  	_ = 	snop;
	(pc) =	sbr.ind lr, $3  }
0x3a: {  	_ = 	snop  }
0x3b: {  	_ = 	snop  }
0x3c: {  	p2 =	seq.s32 s10, $0x1;
	s10 =	sld [smem:$0x3FB6]  }
0x3d: {  	_ =	shalt  }
0x3e: {  	_ =	shalt  }
0x3f: {  	_ =	shalt  }
0x40: {  	_ =	shalt  }
0x41: {  	_ =	shalt  }
0x42: {  	_ =	shalt  }
0x43: {  	_ =	shalt  }
0x44: {  	_ =	shalt  }
0x45: {  	_ =	shalt  }
0x46: {  	_ =	shalt  }
0x47: {  	_ =	shalt  }
0x48: {  	_ =	shalt  }
0x49: {  	_ =	shalt  }
0x4a: {  	_ =	shalt  }
0x4b: {  	_ =	shalt  }
0x4c: {  	_ =	shalt  }
0x4d: {  	_ =	shalt  }
0x4e: {  	_ =	shalt  }
0x4f: {  	_ =	shalt  }
0x50: {  	_ =	shalt  }
0x51: {  	_ =	shalt  }
0x52: {  	_ =	shalt  }
0x53: {  	_ =	shalt  }
0x54: {  	_ =	shalt  }
0x55: {  	_ =	shalt  }
0x56: {  	_ =	shalt  }
0x57: {  	_ =	shalt  }
0x58: {  	_ =	shalt  }
0x59: {  	_ =	shalt  }
0x5a: {  	_ =	shalt  }
0x5b: {  	_ =	shalt  }
0x5c: {  	_ =	shalt  }
0x5d: {  	_ =	shalt  }
0x5e: {  	_ =	shalt  }
0x5f: {  	_ =	shalt  }
0x60: {  	_ =	shalt  }
0x61: {  	_ =	shalt  }
0x62: {  	_ =	shalt  }
0x63: {  	_ =	shalt  }
0x64: {  	_ =	shalt  }
0x65: {  	_ =	shalt  }
0x66: {  	_ =	shalt  }
0x67: {  	_ =	shalt  }
0x68: {  	_ =	shalt  }
0x69: {  	_ =	shalt  }
0x6a: {  	_ =	shalt  }
0x6b: {  	_ =	shalt  }
0x6c: {  	_ =	shalt  }
0x6d: {  	_ =	shalt  }
0x6e: {  	_ =	shalt  }
0x6f: {  	_ =	shalt  }
0x70: {  	_ =	shalt  }
0x71: {  	_ =	shalt  }
0x72: {  	_ =	shalt  }
0x73: {  	_ =	shalt  }
0x74: {  	_ =	shalt  }
0x75: {  	_ =	shalt  }
0x76: {  	_ =	shalt  }
0x77: {  	_ =	shalt  }
0x78: {  	_ =	shalt  }
0x79: {  	_ =	shalt  }
0x7a: {  	_ =	shalt  }
0x7b: {  	_ =	shalt  }
0x7c: {  	_ =	shalt  }
0x7d: {  	_ =	shalt  }
0x7e: {  	_ =	shalt  }
0x7f: {  	_ =	shalt  }
0x80: {  	_ =	shalt  }
0x81: {  	_ =	shalt  }
0x82: {  	_ =	shalt  }
0x83: {  	_ =	shalt  }
0x84: {  	_ =	shalt  }
0x85: {  	_ =	shalt  }
0x86: {  	_ =	shalt  }
0x87: {  	_ =	shalt  }
.Lfunc_end0:
.L_simem_size_0:
called_computation.1_lowered:
.L_overlay_start_0:
0x88: {  	s2 =	sld [smem:$0x3FD9]  }
0x89: {  	s3 =	sld [smem:$0x3FFE];
	_ =	sdelay $0x1  }
0x8a: {  	s1 =	srdreg.scid  }
0x8b: {  	s0 =	sand.u32 $0x1, s1  }
0x8c: {  	s17 =	sshll.u32 s0, $0xA;
	s2 =	sadd.s32 s3, s2  }
0x8d: {  	s2 =	sadd.s32 s2, s17  }
0x8e: {  	[smem:$0x3FC2] =	sst s2  }
0x8f: {  	_ = 	snop  }
0x90: {  	(tm) =	ssettm $0x1  }
0x91: {  	s18 =	sld [smem:$0x3FFB];
	_ =	sdelay $0x3  }
0x92: {  	_ =	strace s18  }
0x93: {  	s2 =	sld [smem:$0x3FFC];
	_ =	sdelay $0x3  }
0x94: {  	_ =	strace s2  }
0x95: {  	s2 =	sld [smem:$0x3FFD];
	_ =	sdelay $0x3  }
0x96: {  	_ =	strace s2  }
0x97: {  	_ =	strace $0x8FFFFFFF  }
0x98: {  	s19 =	sld [smem:$0x3FDB];
	_ =	sdelay $0x1  }
0x99: {  	s20 =	simm.s32 $_scs_section_size  }
0x9a: {  	s4 =	simm.s32 $_size__tile_overlayer_lowered;
	s5 =	simm.s32 $_tile_overlayer_lowered  }
0x9b: {  	s6 =	simm.s32 $0x1BFF;
	s21 =	sshll.u32 s5, $0x1;
	s3 =	sadd.s32 s20, s19  }
0x9c: {  	s22 =	simm.s32 $0x0;
	s4 =	sshll.u32 s4, $0x1;
	s5 =	sadd.s32 s21, s3  }
0x9d: {  	[timem:s22], [sflag:s6] =	dma.local [hbm:s5], s4  }
0x9e: {  	_ =	swait.ge [sflag:s6], s4  }
0x9f: {  	s4 =	ssub.s32 $0x0, s4;
	[sflag:s6] =	ssyncset.done $0x0  }
0xa0: {  	[sflag:s6] =	ssyncadd.s32 s4;
	_ =	sdelay $0x1  }
0xa1: {  	s23 =	simm.s32 $0x1B8B  }
0xa2: {  	_ =	swait.ge [sflag:s23], $0x1  }
0xa3: {  	[sflag:s23] =	ssyncset.done $0x0  }
0xa4: {  	[sflag:s23] =	ssyncadd.s32 $0xFFFFFFFF  }
0xa5: {  	s4 =	sld [smem:$0x0]  }
0xa6: {  	s5 =	sand.u32 $0xFFFFFFFE, s1  }
0xa7: {  	p0 =	sne.s32 s1, s5  }
0xa8: {  	s5 =	sshll.u32 @p0 s5, $0xE  }
0xa9: {  	s5 =	sadd.s32 @p0 $0x11B8D, s5;
	s6 =	sshll.u32 @p0 s4, $0x11  }
0xaa: {  	s5 =	sor.u32 @p0 s6, s5  }
0xab: {  	[sflag:s5] =	ssyncadd.remote.s32 @p0 $0x1;
	_ =	sdelay $0x1  }
0xac: {  	s5 =	simm.s32 @p0 $0x1B8D  }
0xad: {  	_ =	swait.eq @p0 [sflag:s5], $0x1  }
0xae: {  	[sflag:s5] =	ssyncadd.s32 @p0 $0xFFFFFFFF  }
0xaf: {  	s6 =	sshll.u32 @!p0 s1, $0xE  }
0xb0: {  	s6 =	sor.u32 @!p0 $0x4000, s6;
	s5 =	simm.s32 @!p0 $0x1B8D  }
0xb1: {  	s4 =	sshll.u32 @!p0 s4, $0x11;
	s6 =	sadd.s32 @!p0 $0x11B8D, s6;
	_ =	swait.eq @!p0 [sflag:s5], $0x1  }
0xb2: {  	s4 =	sor.u32 @!p0 s4, s6;
	[sflag:s5] =	ssyncadd.s32 @!p0 $0xFFFFFFFF  }
0xb3: {  	s25 =	simm.s32 $0x1B8E;
	s24 =	sld [smem:$0x3FFE];
	[sflag:s4] =	ssyncadd.remote.s32 @!p0 $0x1  }
0xb4: {  	s26 =	simm.s32 $execute0_lowered;
	[smem:$0x3FD2] =	sst s25  }
0xb5: {  	s5 =	sshll.u32 s26, $0x1;
	_ =	strace $0x8000004C;
	[dreg:$0x1] =	wrdreg $0xFFFFFFFF  }
0xb6: {  	s28 =	simm.s32 $_size_execute0_lowered;
	s3 =	sadd.s32 s3, s5;
	[dreg:$0x0] =	wrdreg $0x0  }
0xb7: {  	s5 =	sshll.u32 s28, $0x1;
	[dreg:$0x2] =	wrdreg s3  }
0xb8: {  	[dreg:$0x3] =	wrdreg s5  }
0xb9: {  	[dreg:$0x4] =	wrdreg $0xC0  }
0xba: {  	_ =	task [dreg:s22], $0x5FFFF  }
0xbb: {  	[dreg:$0x1] =	wrdreg $0xFFFFFFFF  }
0xbc: {  	[dreg:$0x0] =	wrdreg $0x60  }
0xbd: {  	[dreg:$0x2] =	wrdreg s24  }
0xbe: {  	[dreg:$0x3] =	wrdreg $0x9  }
0xbf: {  	_ =	task.clear_ibuf [dreg:s22], $0x4FFFF;
	_ =	strace $0x9000004C  }
0xc0: {  	s29 =	simm.s32 $0x9;
	_ =	strace $0x8000004E  }
0xc1: {  	_ =	swait.ge [sflag:s29], $0x1  }
0xc2: {  	[sflag:s29] =	ssyncadd.s32 $0xFFFFFFFF  }
0xc3: {  	_ =	strace $0x9000004E  }
0xc4: {  	_ =	sfence  }
0xc5: {  	s30 =	sld [smem:$0x0];
	_ =	sdelay $0x2  }
0xc6: {  	s31 =	sshll.u32 s1, $0xD;
	s1 =	sshrl.u32 s1, $0x2  }
0xc7: {  	s4 =	sand.u32 $0x4000, s31;
	s1 =	sadd.s32 s1, s30  }
0xc8: {  	s0 =	sor.u32 s4, s0;
	s1 =	sshll.u32 s1, $0x11  }
0xc9: {  	s0 =	sor.u32 s1, s0  }
0xca: {  	s0 =	sadd.s32 $0x8F2B, s0  }
0xcb: {  	[sflag:s0] =	ssyncadd.remote.s32 $0x1  }
0xcc: {  	_ =	sfence.sel $0xFFFF  }
0xcd: {  	[dreg:$0x0] =	wrdreg $0xFFFFFFFF;
	(pc) =	sbr.abs _section_cstart, $3  }
0xce: {  	[dreg:$0x1] =	wrdreg $0xFFFFFFFF  }
0xcf: {  	_ =	task.clear_ibuf [dreg:s22], $0x2FFFF;
	_ =	strace $0x9FFFFFFF  }
0xd0: {  	(tm) =	ssettm $0x7FFFFFFF  }
0xd1: {  	_ =	shalt  }
tec
execute0_lowered:
.L_overlay_start_1:
0x0: {  	(tag) =	ssettag $0x1  }
0x1: {  	s2 =	rddreg [dreg:$0x0]  }
0x2: {  	s0 =	rddreg [dreg:$0x1]  }
0x3: {  	s1 =	srdreg.scid;
	_ =	strace $0x8000004D;
	s4 =	simm.s32 $0x1  }
0x4: {  	s9 =	simm.s32 $0x3;
	s11 =	simm.s32 $0x0;
	s5 =	sshll.u32 s1, $0x4  }
.Ltmp0:
0x5: {  	s1 =	stileid.u32;
	s5 =	sand.u32 $0x10, s5;
	(pc) =	sbr.rel .LBB2_1-.Ltmp0, $4  }
0x6: {  	p0 =	por $0x0, $0x0;
	s3 =	sadd.s32 $0x189C00, s2;
	s6 =	sor.u32 s1, s5  }
0x7: {  	[sflag:s4] =	ssyncpa.u1 $0x0;
	s5 =	simm.s32 $0x2;
	s6 =	sshll.u32 s6, $0xC  }
0x8: {  	s7 =	sadd.s32 $0x312A00, s2;
	[sflag:s5] =	ssyncpa.u1 $0x0;
	s8 =	sadd.s32 $0x1000, s6  }
0x9: {  	vm0 =	vmmov $0xff;
	vm1 =	vcmask $0x3F20;
	[sflag:s9] =	ssyncpa.u1 $0x0;
	s10 =	smov.u32 s6;
	s9 =	simm.s32 $0x0  }
.LBB2_7:
0xa: {  	p1 =	slt.u32 s9, $0x2;
	s11 =	sadd.s32 $0x100, s10  }
0xb: {  	s13 =	smov.u32 s6;
	s9 =	sadd.s32 $0x1, s9;
	p2 =	slt.s32 s11, s8  }
0xc: {  	s13 =	smov.u32 @p2 s11;
	p2 =	sne.s32 s9, $0x12  }
.Ltmp1:
0xd: {  	_ = 	snop;
	(pc) =	sbr.rel @!p2 .LBB2_8-.Ltmp1, $4  }
0xe: {  	s12 =	simm.s32 @!p1 $0x3  }
0xf: {  	_ =	swait.ge @!p1 [sflag:s12], $0x8000  }
0x10: {  	p0 =	por !p0, !p0;
	[sflag:s12] =	ssyncset.done @!p1 $0x0  }
0x11: {  	s11 =	smov.u32 s10;
	s10 =	smov.u32 s13;
	[sflag:s12] =	ssyncadd.s32 @!p1 $0xFFFF8000  }
.LBB2_1:
0x12: {  	p1 =	sgt.u32 s9, $0xF  }
0x13: {  	s12 =	sxor.u32 @!p1 $0xFFFFFFFF, s9  }
0x14: {  	s13 =	sshrl.u32 @!p1 s10, $0x3;
	s12 =	sshll.u32 @!p1 s12, $0x8  }
0x15: {  	s14 =	sand.u32 @!p1 $0x7, s10;
	s13 =	sadd.s32 @!p1 s3, s13;
	s12 =	sand.u32 @!p1 $0x100, s12  }
0x16: {  	[tilespmem:s12], [sflag:$0x2] =	stream.linear.gather @!p1 [hbm4b:s13+s14], $0x100, $0x38;
	[tilespmem:$0x10200] =	vst v63  }
0x17: {  	p1 =	seq.s32 s9, $0x0  }
0x18: {  	p2 =	seq.s32 @!p1 s9, $0x11  }
0x19: {  	p1 =	por p1, p2  }
.Ltmp2:
0x1a: {  	_ = 	snop;
	(pc) =	sbr.rel @p1 .LBB2_7-.Ltmp2, $1  }
0x1b: {  	_ =	sdelay $0x3  }
0x1c: {  	s12 =	simm.s32 $0x1  }
0x1d: {  	_ =	swait.ge [sflag:s5], $0x100;
	s12 =	simm.s32 @!p0 $0x0  }
0x1e: {  	[sflag:s5] =	ssyncset.done $0x0;
	s14 =	sshll.u32 s12, $0x8  }
0x1f: {  	[sflag:s5] =	ssyncadd.s32 $0xFFFFFF00;
	s13 =	sadd.s32 $0x0, s14  }
0x20: {  	v0 =	vld.msk [tilespmem:s13+$0x0 ss:$0x1], $0xffff;
	_ =	sdelay $0x4  }
0x21: {  	vm2 =	vgt.s32 v0, $0x0  }
0x22: {  	v0 =	vnsel vm2, $0x0, v0  }
0x23: {  	v0 =	vmin.u32 v0, $0x1869F  }
0x24: {  	v0 =	vshll.u32 v0, $0x4;
	_ =	sdelay $0x2  }
0x25: {  	s12 =	sshll.u32 s12, $0xF  }
0x26: {  	s12 =	sor.u32 $0x200, s12  }
0x27: {  	[tilespmem:s12], [sflag:$0x1] =	stream.indirect_vreg.gather [hbm:s2], $0x80, v0, vm0, $0x38;
	[tilespmem:$0x10200] =	vst v63  }
0x28: {  	s15 =	sadd.s32 $0x10, s14;
	s13 =	sadd.s32 $0x400, s12  }
0x29: {  	[tilespmem:s13], [sflag:$0x1] =	stream.indirect_vreg.gather [hbm:s2], $0x80, v0, vm1, $0x38;
	[tilespmem:$0x10200] =	vst v63  }
0x2a: {  	s16 =	simm.s32 $0x80;
	v0 =	vld.msk [tilespmem:s15+$0x0 ss:$0x1], $0xffff;
	s15 =	smov.u32 s12  }
.LBB2_3:
0x2b: {  	p1 =	sne.s32 s16, $0x3C0;
	_ =	sdelay $0x4  }
0x2c: {  	vm2 =	vgt.s32 v0, $0x0  }
0x2d: {  	v0 =	vnsel vm2, $0x0, v0  }
0x2e: {  	v0 =	vmin.u32 v0, $0x1869F  }
0x2f: {  	v0 =	vshll.u32 v0, $0x4;
	_ =	sdelay $0x3  }
.Ltmp3:
0x30: {  	s17 =	sshra.s32 s16, $0x2;
	s15 =	sadd.s32 $0x800, s15;
	(pc) =	sbr.rel @p1 .LBB2_3-.Ltmp3, $4  }
0x31: {  	[tilespmem:s15], [sflag:$0x1] =	stream.indirect_vreg.gather [hbm:s2], $0x80, v0, vm0, $0x38;
	[tilespmem:$0x10200] =	vst v63  }
0x32: {  	s17 =	sadd.s32 s17, s14;
	s18 =	sadd.s32 $0x400, s15  }
0x33: {  	[tilespmem:s18], [sflag:$0x1] =	stream.indirect_vreg.gather [hbm:s2], $0x80, v0, vm1, $0x38;
	[tilespmem:$0x10200] =	vst v63  }
0x34: {  	s16 =	sadd.s32 $0x40, s16;
	v0 =	vld.msk [tilespmem:s17+$0x0 ss:$0x1], $0xffff  }
0x35: {  	_ =	sdelay $0x3  }
0x36: {  	vm2 =	vgt.s32 v0, $0x0  }
0x37: {  	v0 =	vnsel vm2, $0x0, v0  }
0x38: {  	v0 =	vmin.u32 v0, $0x1869F  }
0x39: {  	v0 =	vshll.u32 v0, $0x4;
	_ =	sdelay $0x3  }
0x3a: {  	s14 =	sadd.s32 $0x800, s15  }
0x3b: {  	[tilespmem:s14], [sflag:$0x1] =	stream.indirect_vreg.gather [hbm:s2], $0x80, v0, vm0, $0x38;
	[tilespmem:$0x10200] =	vst v63  }
0x3c: {  	s14 =	sadd.s32 $0x400, s14  }
0x3d: {  	[tilespmem:s14], [sflag:$0x1] =	stream.indirect_vreg.gather [hbm:s2], $0x80, v0, vm1, $0x38;
	[tilespmem:$0x10200] =	vst v63  }
0x3e: {  	s11 =	sshll.u32 s11, $0x4;
	_ =	swait.ge [sflag:s4], $0x8000  }
0x3f: {  	s11 =	sadd.s32 s11, s7;
	[sflag:s4] =	ssyncset.done $0x0  }
0x40: {  	s15 =	sadd.s32 $0x0, s11;
	s14 =	simm.s32 $0x80;
	[sflag:s4] =	ssyncadd.s32 $0xFFFF8000  }
.LBB2_5:
0x41: {  	[hbm:s15] =	stream.linear.scatter [tilespmem:s12], [sflag:$0x3], $0x400, $0x38;
	[tilespmem:$0x10200] =	vst v63  }
0x42: {  	s15 =	smov.u32 s14;
	s12 =	smov.u32 s13;
	p1 =	sne.s32 s14, $0xF80  }
.Ltmp4:
0x43: {  	s14 =	sadd.s32 $0x80, s14;
	(pc) =	sbr.rel @p1 .LBB2_5-.Ltmp4, $2  }
0x44: {  	_ =	sdelay $0x2  }
0x45: {  	s13 =	sadd.s32 $0x400, s13;
	s15 =	sadd.s32 s15, s11  }
.Ltmp5:
0x46: {  	(pc) =	sbr.rel .LBB2_7-.Ltmp5, $2  }
0x47: {  	_ =	sdelay $0x2  }
0x48: {  	[hbm:s15] =	stream.linear.scatter [tilespmem:s12], [sflag:$0x3], $0x400, $0x38;
	[tilespmem:$0x10200] =	vst v63  }
.LBB2_8:
0x49: {  	_ =	sfence.sel $0x180000  }
0x4a: {  	s2 =	simm.s32 $0x2;
	[bflag:$0x0] =	sbarrier.arrive $0xFFFF  }
0x4b: {  	s30 =	simm.s32 $0x3;
	[sflag:s2] =	ssyncpa.u1 $0x1  }
0x4c: {  	s31 =	simm.s32 $0x1;
	[sflag:s30] =	ssyncpa.u1 $0x1  }
0x4d: {  	[sflag:s31] =	ssyncpa.u1 $0x1  }
0x4e: {  	p0 =	sne.s32 s1, $0x0;
	_ =	strace $0x9000004D  }
0x4f: {  	s0 =	sadd.s32 @!p0 $0x100000, s0;
	[bflag:$0x2] =	sbarrier.arrive $0xFFFF  }
0x50: {  	[sflag:s0] =	ssyncadd.tile.s32 @!p0 $0x1;
	_ =	shalt  }
.Lfunc_end2:
_tile_overlayer_lowered:
.L_overlay_start_2:
0x51: {  	(tag) =	ssettag $0x2  }
0x52: {  	s0 =	rddreg [dreg:$0x0];
	s2 =	stileid.u32  }
0x53: {  	s1 =	rddreg [dreg:$0x1];
	p0 =	sne.s32 s2, $0x0  }
0x54: {  	s3 =	rddreg [dreg:$0x2];
	[bflag:$0x3] =	sbarrier.arrive $0xFFFF;
	s2 =	simm.s32 @!p0 $0x1C01  }
0x55: {  	[timem:s3], [sflag:s2] =	dma.local @!p0 [hbm:s0], s1  }
0x56: {  	s0 =	simm.s32 @!p0 $0x1  }
0x57: {  	_ =	swait.ge @!p0 [sflag:s0], s1  }
0x58: {  	s1 =	ssub.s32 @!p0 $0x0, s1;
	[sflag:s0] =	ssyncset.done @!p0 $0x0  }
0x59: {  	[sflag:s0] =	ssyncadd.s32 @!p0 s1  }
0x5a: {  	[bflag:$0x3] =	sbarrier.arrive $0xFFFF  }
0x5b: {  	_ =	shalt  }

// kernel: sparse-core-data-format-call.cloned.1.call-start
scs
called_computation_lowered:
.L_overlay_start_0:
0x0: {  	s1 =	sld [smem:$0x3FD9]  }
0x1: {  	s2 =	sld [smem:$0x3FFE];
	_ =	sdelay $0x1  }
0x2: {  	s3 =	srdreg.scid  }
0x3: {  	s0 =	sand.u32 $0x1, s3  }
0x4: {  	s17 =	sshll.u32 s0, $0xA;
	s1 =	sadd.s32 s2, s1  }
0x5: {  	s1 =	sadd.s32 s1, s17  }
0x6: {  	[smem:$0x3FC2] =	sst s1  }
0x7: {  	_ = 	snop  }
0x8: {  	(tm) =	ssettm $0x1  }
0x9: {  	s18 =	sld [smem:$0x3FFB];
	_ =	sdelay $0x3  }
0xa: {  	_ =	strace s18  }
0xb: {  	s1 =	sld [smem:$0x3FFC];
	_ =	sdelay $0x3  }
0xc: {  	_ =	strace s1  }
0xd: {  	s1 =	sld [smem:$0x3FFD];
	_ =	sdelay $0x3  }
0xe: {  	_ =	strace s1  }
0xf: {  	_ =	strace $0x8FFFFFFF  }
0x10: {  	s19 =	sld [smem:$0x3FDB];
	_ =	sdelay $0x1  }
0x11: {  	s20 =	simm.s32 $_scs_section_size  }
0x12: {  	s4 =	simm.s32 $_size__tile_overlayer_lowered;
	s5 =	simm.s32 $_tile_overlayer_lowered  }
0x13: {  	s23 =	simm.s32 $0x1BFF;
	s22 =	sshll.u32 s5, $0x1;
	s1 =	sadd.s32 s20, s19  }
0x14: {  	s6 =	simm.s32 $0x0;
	s21 =	sshll.u32 s4, $0x1;
	s4 =	sadd.s32 s22, s1  }
0x15: {  	[timem:s6], [sflag:s23] =	dma.local [hbm:s4], s21  }
0x16: {  	_ =	swait.ge [sflag:s23], s21  }
0x17: {  	s2 =	ssub.s32 $0x0, s21;
	[sflag:s23] =	ssyncset.done $0x0  }
0x18: {  	[sflag:s23] =	ssyncadd.s32 s2;
	_ =	sdelay $0x1  }
0x19: {  	s24 =	simm.s32 $0x1B8B  }
0x1a: {  	_ =	swait.ge [sflag:s24], $0x1  }
0x1b: {  	[sflag:s24] =	ssyncset.done $0x0  }
0x1c: {  	s26 =	simm.s32 $0x1B8E;
	s25 =	sld [smem:$0x3FFE];
	[sflag:s24] =	ssyncadd.s32 $0xFFFFFFFF  }
0x1d: {  	s27 =	simm.s32 $execute0_lowered;
	[smem:$0x3FD2] =	sst s26  }
0x1e: {  	s4 =	sshll.u32 s27, $0x1;
	_ =	strace $0x80000046;
	[dreg:$0x1] =	wrdreg $0xFFFFFFFF  }
0x1f: {  	s28 =	simm.s32 $_size_execute0_lowered;
	s1 =	sadd.s32 s1, s4;
	[dreg:$0x0] =	wrdreg $0x0  }
0x20: {  	s4 =	sshll.u32 s28, $0x1;
	[dreg:$0x2] =	wrdreg s1  }
0x21: {  	[dreg:$0x3] =	wrdreg s4  }
0x22: {  	[dreg:$0x4] =	wrdreg $0xC0  }
0x23: {  	_ =	task [dreg:s6], $0x5FFFF  }
0x24: {  	[dreg:$0x1] =	wrdreg $0xFFFFFFFF  }
0x25: {  	[dreg:$0x0] =	wrdreg $0x60  }
0x26: {  	[dreg:$0x2] =	wrdreg s25  }
0x27: {  	[dreg:$0x3] =	wrdreg $0x9  }
0x28: {  	_ =	task.clear_ibuf [dreg:s6], $0x4FFFF;
	_ =	strace $0x90000046  }
0x29: {  	s29 =	simm.s32 $0x9;
	_ =	strace $0x80000048  }
0x2a: {  	_ =	swait.ge [sflag:s29], $0x1  }
0x2b: {  	[sflag:s29] =	ssyncadd.s32 $0xFFFFFFFF  }
0x2c: {  	_ =	strace $0x90000048  }
0x2d: {  	_ =	sfence  }
0x2e: {  	s30 =	sld [smem:$0x0];
	_ =	sdelay $0x2  }
0x2f: {  	s31 =	sshll.u32 s3, $0xD;
	s3 =	sshrl.u32 s3, $0x2  }
0x30: {  	s2 =	sand.u32 $0x4000, s31;
	s1 =	sadd.s32 s3, s30  }
0x31: {  	s0 =	sor.u32 s2, s0;
	s1 =	sshll.u32 s1, $0x11  }
0x32: {  	s0 =	sor.u32 s1, s0  }
0x33: {  	s0 =	sadd.s32 $0x8F2B, s0  }
0x34: {  	[sflag:s0] =	ssyncadd.remote.s32 $0x1  }
0x35: {  	_ =	sfence.sel $0xFFFF  }
0x36: {  	[dreg:$0x0] =	wrdreg $0xFFFFFFFF;
	(pc) =	sbr.abs _section_cstart, $3  }
0x37: {  	[dreg:$0x1] =	wrdreg $0xFFFFFFFF  }
0x38: {  	_ =	task.clear_ibuf [dreg:s6], $0x2FFFF;
	_ =	strace $0x9FFFFFFF  }
0x39: {  	(tm) =	ssettm $0x7FFFFFFF  }
tec
execute0_lowered:
.L_overlay_start_1:
0x0: {  	(tag) =	ssettag $0x1  }
0x1: {  	s0 =	stileid.u32;
	s1 =	srdreg.scid  }
0x2: {  	s7 =	rddreg [dreg:$0x0];
	s31 =	simm.s32 $0x2;
	s14 =	simm.s32 $0x0  }
0x3: {  	s13 =	simm.s32 $0x0;
	s12 =	simm.s32 $0x0;
	s2 =	sshll.u32 s0, $0x7  }
0x4: {  	s3 =	sshll.u32 s0, $0x4;
	s1 =	sshll.u32 s1, $0x8;
	s2 =	sand.u32 $0x380, s2  }
0x5: {  	s3 =	sor.u32 s3, s1;
	s1 =	rddreg [dreg:$0x1];
	_ =	strace $0x80000047  }
0x6: {  	s3 =	sand.u32 $0x180, s3;
	s4 =	ssub.s32 $0x400, s2;
	s11 =	smov.u32 s2  }
0x7: {  	s5 =	sand.u32 $0x380, s4;
	s6 =	ssub.s32 $0x18800, s3;
	s9 =	sshrl.u32 s4, $0xA  }
0x8: {  	p0 =	sne.s32 s5, $0x0;
	s5 =	simm.s32 $0x1;
	s8 =	sand.u32 $0x180, s6  }
0x9: {  	s5 =	simm.s32 @!p0 $0x0;
	p0 =	sne.s32 s8, $0x0;
	s8 =	simm.s32 $0x1  }
.Ltmp0:
0xa: {  	s6 =	sshrl.u32 s6, $0x9;
	s8 =	simm.s32 @!p0 $0x0;
	(pc) =	sbr.rel .LBB1_1-.Ltmp0, $4  }
0xb: {  	s4 =	simm.s32 $0x1;
	s5 =	sadd.s32 s5, s9;
	s6 =	sadd.s32 s8, s6  }
0xc: {  	s10 =	smov.u32 s3;
	[sflag:s4] =	ssyncpa.u1 $0x0;
	s5 =	smul.u32 s5, s6  }
0xd: {  	[sflag:s31] =	ssyncpa.u1 $0x0;
	p0 =	por $0x0, $0x0;
	s9 =	simm.s32 $0x2000  }
0xe: {  	s6 =	sadd.s32 $0x312A00, s7;
	s7 =	sadd.s32 $0xF52A00, s7;
	s8 =	sadd.s32 $0x1, s5  }
.LBB1_4:
0xf: {  	v5 =	vld [tilespmem:s18+$0xFFFFFFD0];
	[tilespmem:s17+$0x2040 ss:$0x81] =	vst.msk $0xffff, v4;
	s20 =	sshll.u32 s14, $0xA;
	s21 =	sshll.u32 s13, $0x3  }
0x10: {  	v58 =	vld [tilespmem:s18+$0xFFFFFFE0];
	[tilespmem:s17+$0x2850 ss:$0x81] =	vst.msk $0xffff, v3;
	s20 =	sand.u32 $0xFFFFE000, s20;
	s21 =	sand.u32 $0xFFFFFC00, s21  }
0x11: {  	s19 =	sshra.s32 s19, $0x2;
	v59 =	vld [tilespmem:s18+$0xFFFFFFF0];
	[tilespmem:s17+$0x3060 ss:$0x81] =	vst.msk $0xffff, v2;
	s20 =	sadd.s32 s21, s20  }
0x12: {  	v60 =	vld [tilespmem:s18+$0x0];
	[tilespmem:s17+$0x0 ss:$0x81] =	vst.msk $0xffff, v0;
	s16 =	sadd.s32 s19, s16;
	s26 =	sshrl.u32 s20, $0xA  }
0x13: {  	v61 =	vld [tilespmem:s18+$0x10];
	[tilespmem:s16+$0x3870 ss:$0x81] =	vst.msk $0xffff, v1;
	s27 =	smulhi.u32 $0x539783, s26  }
0x14: {  	v62 =	vld [tilespmem:s18+$0x20];
	[tilespmem:s16+$0x810 ss:$0x81] =	vst.msk $0xffff, v5  }
0x15: {  	v63 =	vld [tilespmem:s18+$0xFFFFFFC0];
	s28 =	sshll.u32 s14, $0x7;
	[tilespmem:s16+$0x1020 ss:$0x81] =	vst.msk $0xffff, v58;
	s29 =	sshrl.u32 s27, $0x7  }
0x16: {  	s30 =	sand.u32 $0x78, s13;
	s14 =	sand.u32 $0x380, s28;
	[tilespmem:s16+$0x1830 ss:$0x81] =	vst.msk $0xffff, v59;
	s18 =	smul.u32 $0x18800, s29  }
0x17: {  	s14 =	sor.u32 s30, s14;
	[tilespmem:s16+$0x2040 ss:$0x81] =	vst.msk $0xffff, v60  }
0x18: {  	s31 =	sand.u32 $0x7, s13;
	s14 =	sshrl.u32 s14, $0x3;
	[tilespmem:s16+$0x2850 ss:$0x81] =	vst.msk $0xffff, v61;
	s17 =	ssub.s32 s26, s18  }
0x19: {  	s13 =	sshll.u32 s31, $0x12;
	s14 =	sadd.s32 s7, s14;
	[tilespmem:s16+$0x3060 ss:$0x81] =	vst.msk $0xffff, v62;
	s17 =	sshll.u32 s17, $0x7  }
0x1a: {  	s13 =	sor.u32 $0x400, s13;
	[tilespmem:s16+$0x0 ss:$0x81] =	vst.msk $0xffff, v63;
	s14 =	sadd.s32 s17, s14  }
0x1b: {  	[hbm4b:s14+s13] =	stream.strided.scatter [tilespmem:s15], [sflag:$0x2], $0x4000, s9, s13, $0x20;
	[tilespmem:$0x10100] =	vst v63  }
.LBB1_5:
0x1c: {  	s15 =	sadd.s32 $0x200, s10  }
0x1d: {  	s13 =	sadd.s32 $0x400, s11;
	s17 =	smov.u32 s11;
	p2 =	sgt.s32 s15, $0x187FF  }
0x1e: {  	s17 =	smov.u32 @p2 s13  }
0x1f: {  	s15 =	smov.u32 @p2 s3;
	p2 =	sgt.s32 s17, $0x3FF  }
0x20: {  	s17 =	smov.u32 @p2 s2;
	p2 =	sne.s32 s12, s8  }
.Ltmp1:
0x21: {  	p1 =	slt.u32 s12, $0x2;
	(pc) =	sbr.rel @!p2 .LBB1_6-.Ltmp1, $4  }
0x22: {  	s16 =	simm.s32 @!p1 $0x2  }
0x23: {  	s14 =	smov.u32 s10;
	p0 =	por !p0, !p0;
	_ =	swait.ge @!p1 [sflag:s16], $0x4000  }
0x24: {  	s13 =	smov.u32 s11;
	[sflag:s16] =	ssyncset.done @!p1 $0x0;
	s10 =	smov.u32 s15  }
0x25: {  	s12 =	sadd.s32 $0x1, s12;
	[sflag:s16] =	ssyncadd.s32 @!p1 $0xFFFFC000;
	s11 =	smov.u32 s17  }
.LBB1_1:
0x26: {  	p1 =	sge.u32 s12, s5  }
0x27: {  	s15 =	sshrl.u32 @!p1 s11, $0x3  }
0x28: {  	s16 =	sshll.u32 @!p1 s10, $0x3;
	s17 =	sshll.u32 @!p1 s11, $0x7;
	s15 =	smul.u32 @!p1 $0xC4000, s15  }
0x29: {  	s18 =	sand.u32 @!p1 $0x7F, s10;
	s16 =	sand.u32 @!p1 $0xFFFFFC00, s16;
	s17 =	sand.u32 @!p1 $0x380, s17  }
0x2a: {  	s15 =	sadd.s32 @!p1 s15, s16;
	s16 =	sor.u32 @!p1 s18, s17  }
0x2b: {  	s16 =	sor.u32 @!p1 s15, s16  }
0x2c: {  	s17 =	smulhi.u32 @!p1 $0x5397829D, s16;
	_ =	sdelay $0x1  }
0x2d: {  	s15 =	smulhi.u32 @!p1 $0x5397829D, s15;
	s17 =	sshrl.u32 @!p1 s17, $0xF  }
0x2e: {  	s17 =	smul.u32 @!p1 $0x18800, s17  }
0x2f: {  	s31 =	sadd.s32 $0xFFFFFFFF, s12;
	s18 =	sxor.u32 @!p1 $0xFFFFFFFF, s12;
	s15 =	sshrl.u32 @!p1 s15, $0xF  }
0x30: {  	s18 =	sshll.u32 @!p1 s18, $0xE;
	s15 =	sand.u32 @!p1 $0x3FF, s15;
	s16 =	ssub.s32 @!p1 s16, s17  }
0x31: {  	s15 =	smul.u32 @!p1 $0x3100, s15;
	s17 =	sshrl.u32 @!p1 s16, $0x3;
	s16 =	sand.u32 @!p1 $0x7, s16  }
0x32: {  	s18 =	sand.u32 @!p1 $0x4000, s18;
	s17 =	sadd.s32 @!p1 s6, s17;
	s16 =	sshll.u32 @!p1 s16, $0x12  }
0x33: {  	s15 =	sadd.s32 @!p1 s15, s17;
	s16 =	sor.u32 @!p1 $0x400, s16;
	s17 =	simm.s32 @!p1 $0xC4000  }
0x34: {  	[tilespmem:s18], [sflag:$0x1] =	stream.strided.gather @!p1 [hbm4b:s15+s16], $0x4000, s17, s16, $0x38;
	[tilespmem:$0x10100] =	vst v63  }
0x35: {  	p1 =	sge.u32 s31, s5  }
.Ltmp2:
0x36: {  	_ = 	snop;
	(pc) =	sbr.rel @p1 .LBB1_5-.Ltmp2, $1  }
0x37: {  	_ =	sdelay $0x3  }
0x38: {  	s15 =	simm.s32 $0x1  }
0x39: {  	_ =	swait.ge [sflag:s4], $0x4000;
	s15 =	simm.s32 @!p0 $0x0  }
0x3a: {  	[sflag:s4] =	ssyncset.done $0x0;
	s16 =	sshll.u32 s15, $0xE  }
0x3b: {  	[sflag:s4] =	ssyncadd.s32 $0xFFFFC000;
	s18 =	sor.u32 $0x40, s16  }
0x3c: {  	s15 =	smul.u32 $0x10200, s15;
	v0 =	vld [tilespmem:s18+$0x30]  }
0x3d: {  	v1 =	vld [tilespmem:s18+$0xFFFFFFD0]  }
0x3e: {  	s15 =	sshrl.u32 s15, $0x2;
	v5 =	vld [tilespmem:s18+$0xFFFFFFE0]  }
0x3f: {  	v6 =	vld [tilespmem:s18+$0xFFFFFFF0];
	s16 =	sor.u32 $0x8000, s15  }
0x40: {  	s31 =	sand.u32 $0x1, s12;
	v4 =	vld [tilespmem:s18+$0x0];
	s17 =	sadd.s32 $0x0, s16  }
0x41: {  	v3 =	vld [tilespmem:s18+$0x10];
	s15 =	smul.u32 $0x10200, s31;
	[tilespmem:s17+$0x3870 ss:$0x81] =	vst.msk $0xffff, v0  }
0x42: {  	v2 =	vld [tilespmem:s18+$0x20];
	[tilespmem:s17+$0x810 ss:$0x81] =	vst.msk $0xffff, v1  }
0x43: {  	s15 =	sshrl.u32 s15, $0x2;
	v0 =	vld [tilespmem:s18+$0xFFFFFFC0];
	[tilespmem:s17+$0x1020 ss:$0x81] =	vst.msk $0xffff, v5;
	s18 =	sadd.s32 $0x80, s18  }
0x44: {  	s19 =	simm.s32 $0x4;
	s20 =	simm.s32 $0x8;
	s15 =	sor.u32 $0x8000, s15;
	[tilespmem:s17+$0x1830 ss:$0x81] =	vst.msk $0xffff, v6;
	v1 =	vld [tilespmem:s18+$0x30]  }
.LBB1_3:
0x45: {  	p1 =	sne.s32 s20, $0x1FC;
	v5 =	vld [tilespmem:s18+$0xFFFFFFD0];
	[tilespmem:s17+$0x2040 ss:$0x81] =	vst.msk $0xffff, v4  }
0x46: {  	v6 =	vld [tilespmem:s18+$0xFFFFFFE0];
	[tilespmem:s17+$0x2850 ss:$0x81] =	vst.msk $0xffff, v3  }
0x47: {  	s21 =	sshra.s32 s19, $0x2;
	s19 =	smov.u32 s20;
	v7 =	vld [tilespmem:s18+$0xFFFFFFF0];
	[tilespmem:s17+$0x3060 ss:$0x81] =	vst.msk $0xffff, v2  }
.Ltmp3:
0x48: {  	v4 =	vld [tilespmem:s18+$0x0];
	[tilespmem:s17+$0x0 ss:$0x81] =	vst.msk $0xffff, v0;
	s17 =	sadd.s32 s21, s16;
	(pc) =	sbr.rel @p1 .LBB1_3-.Ltmp3, $4  }
0x49: {  	v3 =	vld [tilespmem:s18+$0x10];
	[tilespmem:s17+$0x3870 ss:$0x81] =	vst.msk $0xffff, v1  }
0x4a: {  	[tilespmem:s17+$0x810 ss:$0x81] =	vst.msk $0xffff, v5;
	v2 =	vld [tilespmem:s18+$0x20]  }
0x4b: {  	v0 =	vld [tilespmem:s18+$0xFFFFFFC0];
	[tilespmem:s17+$0x1020 ss:$0x81] =	vst.msk $0xffff, v6;
	s18 =	sadd.s32 $0x80, s18  }
0x4c: {  	s20 =	sadd.s32 $0x4, s20;
	v1 =	vld [tilespmem:s18+$0x30];
	[tilespmem:s17+$0x1830 ss:$0x81] =	vst.msk $0xffff, v7  }
.Ltmp4:
0x4d: {  	_ = 	snop;
	(pc) =	sbr.rel .LBB1_4-.Ltmp4, $1  }
0x4e: {  	_ =	sdelay $0x3  }
.LBB1_6:
0x4f: {  	_ =	sfence.sel $0x180000  }
0x50: {  	s2 =	simm.s32 $0x1;
	[bflag:$0x0] =	sbarrier.arrive $0xFFFF  }
0x51: {  	s31 =	simm.s32 $0x2;
	[sflag:s2] =	ssyncpa.u1 $0x1  }
0x52: {  	[sflag:s31] =	ssyncpa.u1 $0x1  }
0x53: {  	p0 =	sne.s32 s0, $0x0;
	_ =	strace $0x90000047  }
0x54: {  	s0 =	sadd.s32 @!p0 $0x100000, s1;
	[bflag:$0x2] =	sbarrier.arrive $0xFFFF  }
0x55: {  	[sflag:s0] =	ssyncadd.tile.s32 @!p0 $0x1;
	_ =	shalt  }
.Lfunc_end1:
_tile_overlayer_lowered:
.L_overlay_start_2:
0x56: {  	(tag) =	ssettag $0x2  }
0x57: {  	s0 =	rddreg [dreg:$0x0];
	s2 =	stileid.u32  }
0x58: {  	s1 =	rddreg [dreg:$0x1];
	p0 =	sne.s32 s2, $0x0  }
0x59: {  	s3 =	rddreg [dreg:$0x2];
	[bflag:$0x3] =	sbarrier.arrive $0xFFFF;
	s2 =	simm.s32 @!p0 $0x1C01  }
0x5a: {  	[timem:s3], [sflag:s2] =	dma.local @!p0 [hbm:s0], s1  }
0x5b: {  	s0 =	simm.s32 @!p0 $0x1  }
0x5c: {  	_ =	swait.ge @!p0 [sflag:s0], s1  }
0x5d: {  	s1 =	ssub.s32 @!p0 $0x0, s1;
	[sflag:s0] =	ssyncset.done @!p0 $0x0  }
0x5e: {  	[sflag:s0] =	ssyncadd.s32 @!p0 s1  }
0x5f: {  	[bflag:$0x3] =	sbarrier.arrive $0xFFFF  }
0x60: {  	_ =	shalt  }

</sc_bundles>
